<compile_context>
chip_gen: v7x
topology: tpu7x:2x2x1
jax: 0.10.2.dev20260603
libtpu: 0.0.44.dev20260713+nightly
codegen_flags: <defaults>
</compile_context>

<pallas_src>
import jax
import jax.numpy as jnp
from jax import lax
from jax.experimental import pallas as pl
from jax.experimental.pallas import tpu as pltpu
from jax.experimental.pallas import tpu_sc as plsc

B = 8
W = 2048
DIST = 10
L = 16
BLK = 32
NBLK = W // BLK
NVR = NBLK // L
MAX_PICKS = (W - 1) // (DIST + 1) + 1
NEG_INF = float("-inf")


def _splat_f(s):
    return lax.broadcast_in_dim(jnp.float32(s), (L,), ())


def _splat_i(s):
    return lax.broadcast_in_dim(jnp.int32(s), (L,), ())


def _bcast_last(v):
    return jnp.take_along_axis(v, _splat_i(L - 1), axis=0)


def _vmax_splat(v):
    return _bcast_last(plsc.cummax(v))


def _tree(op, xs):
    while len(xs) > 1:
        xs = [op(xs[i], xs[i + 1]) for i in range(0, len(xs) - 1, 2)] + (
            [xs[-1]] if len(xs) % 2 else []
        )
    return xs[0]


def _row_program(xrow, key, bmax, outrow):
    lanes = lax.iota(jnp.int32, L)
    lane0 = lanes == 0
    neg_inf_v = _splat_f(NEG_INF)
    big = _splat_i(32 * W)

    def _bfly_max(v):
        for s in (8, 4, 2, 1):
            v = jnp.maximum(v, jnp.take_along_axis(v, lanes ^ s, axis=0))
        return v

    def detect(b, _):
        base = b * BLK
        ks = []
        for h in range(2):
            sb = base + h * L
            pos = sb + lanes
            xc = xrow[pl.ds(sb, L)]
            xp = plsc.load_gather(xrow, [jnp.maximum(pos - 1, 0)])
            xn = plsc.load_gather(xrow, [jnp.minimum(pos + 1, W - 1)])
            dxr = (pos < W - 1) & ((xn - xc) > 0)
            dxl = (pos == 0) | ((xc - xp) <= 0)
            nonpos = xc <= 0
            valley = dxr & dxl & nonpos
            peak = (~dxr) & (~dxl) & (~nonpos)
            k = jnp.where(valley | peak, jnp.abs(xc), neg_inf_v)
            key[pl.ds(sb, L)] = k
            outrow[pl.ds(sb, L)] = jnp.zeros((L,), jnp.float32)
            ks.append(k)
        plsc.store_scatter(
            bmax,
            [lax.broadcast_in_dim(b, (L,), ())],
            _bfly_max(jnp.maximum(ks[0], ks[1])),
            mask=lane0,
        )
        return 0

    lax.fori_loop(0, NBLK, detect, 0, unroll=4)

    bvs0 = [bmax[pl.ds(v * L, L)] for v in range(NVR)]
    m0s = jnp.max(_tree(jnp.maximum, bvs0))
    m0 = lax.broadcast_in_dim(m0s, (L,), ())

    def cond(c):
        return (c[0] < MAX_PICKS) & c[6]

    def body(c):
        i, b0, b1, b2, b3, m, _ = c
        bvs = [b0, b1, b2, b3]

        sels = []
        for v in range(NVR):
            ffs = plsc.all_reduce_ffs(bvs[v] == m)
            sels.append(jnp.where(ffs >= L, big, v * L + ffs))
        bsel = _tree(jnp.minimum, sels)

        kva = plsc.load_gather(key, [bsel * BLK + lanes])
        kvb = plsc.load_gather(key, [bsel * BLK + L + lanes])
        fa = plsc.all_reduce_ffs(kva == m)
        fb = plsc.all_reduce_ffs(kvb == m)
        p = bsel * BLK + jnp.where(fa < L, fa, L + fb)

        xv = plsc.load_gather(xrow, [p])
        plsc.store_scatter(outrow, [p], xv, mask=lane0)

        lo = jnp.maximum(p - DIST, 0)
        hi = jnp.minimum(p + DIST, W - 1)
        ba = lo // BLK
        bz = hi // BLK
        bo = ba + bz - bsel

        idx_a = bsel * BLK + lanes
        idx_b = idx_a + L
        qa = jnp.where((idx_a >= lo) & (idx_a <= hi), neg_inf_v, kva)
        qb = jnp.where((idx_b >= lo) & (idx_b <= hi), neg_inf_v, kvb)
        nm_sel = _bfly_max(jnp.maximum(qa, qb))
        idx_c = bo * BLK + lanes
        idx_d = idx_c + L
        gc = plsc.load_gather(key, [idx_c])
        gd = plsc.load_gather(key, [idx_d])
        qc = jnp.where((idx_c >= lo) & (idx_c <= hi), neg_inf_v, gc)
        qd = jnp.where((idx_d >= lo) & (idx_d <= hi), neg_inf_v, gd)
        nm_o = _bfly_max(jnp.maximum(qc, qd))

        w1 = p - DIST + lanes
        plsc.store_scatter(
            key, [jnp.clip(w1, 0, W - 1)], neg_inf_v,
            mask=(w1 >= 0) & (w1 <= W - 1),
        )
        w2 = p + DIST - 4 + lanes
        plsc.store_scatter(
            key, [jnp.clip(w2, 0, W - 1)], neg_inf_v,
            mask=(lanes <= 4) & (w2 <= W - 1),
        )

        nbvs = []
        for v in range(NVR):
            bv = bvs[v]
            bv = jnp.where(lanes == bsel - v * L, nm_sel, bv)
            bv = jnp.where(lanes == bo - v * L, nm_o, bv)
            nbvs.append(bv)
        ms = jnp.max(_tree(jnp.maximum, nbvs))
        m2 = lax.broadcast_in_dim(ms, (L,), ())
        return (i + 1, nbvs[0], nbvs[1], nbvs[2], nbvs[3], m2, ms > NEG_INF)

    lax.while_loop(
        cond, body,
        (0, bvs0[0], bvs0[1], bvs0[2], bvs0[3], m0, m0s > NEG_INF),
    )


_mesh = plsc.VectorSubcoreMesh(
    core_axis_name="c", subcore_axis_name="s", num_cores=2, num_subcores=16
)
_SCRATCH = [
    pltpu.VMEM((W,), jnp.float32),
    pltpu.VMEM((W,), jnp.float32),
    pltpu.VMEM((NBLK,), jnp.float32),
    pltpu.VMEM((W,), jnp.float32),
]


def _extrema_nms_body(x_hbm, out_hbm, xrow, key, bmax, outrow):
    wid = lax.axis_index("c") * 16 + lax.axis_index("s")

    @pl.when(wid < B)
    def _():
        pltpu.sync_copy(x_hbm.at[wid], xrow)
        _row_program(xrow, key, bmax, outrow)
        pltpu.sync_copy(outrow, out_hbm.at[wid])


_extrema_nms = pl.kernel(
    _extrema_nms_body,
    out_type=jax.ShapeDtypeStruct((B, W), jnp.float32),
    mesh=_mesh,
    scratch_types=_SCRATCH,
    compiler_params=pltpu.CompilerParams(needs_layout_passes=False),
)


@jax.jit
def kernel(input):
    x = input.reshape(B, W)
    out = _extrema_nms(x)
    return out.reshape(B, 1, W)

# --- scband reference (transcript-rebuilt; emitter-appended) ---
"""Pipeline reference for scband-extrema1-d-33938831573315 (READ-ONLY COPY).

The authoritative reference and input builder live on the scoring server;
editing this copy changes nothing except your own understanding.
"""

import jax, jax.numpy as jnp
import numpy as np

MINIMUM_EXTREMA_DISTANCE = 10


def setup_inputs(seed: int = 0) -> dict:
    key = jax.random.key(seed)
    x = jax.random.normal(key, (8, 1, 2048), dtype=jnp.float32)
    return {"input": x}


def _primary_extrema_mask(x, minimum_extrema_distance):
    # x: float32[B, 1, W] array. Returns bool mask[B, 1, W] marking primary extrema.
    B, C, W = x.shape
    dx = x[:, :, 1:] - x[:, :, :-1]
    dx_padright_greater = jnp.pad(dx, ((0, 0), (0, 0), (0, 1))) > 0
    dx_padleft_less = jnp.pad(dx, ((0, 0), (0, 0), (1, 0))) <= 0
    sign = (1 - jnp.sign(x)).astype(bool)
    valleys = dx_padright_greater & dx_padleft_less & sign
    peaks = (~dx_padright_greater) & (~dx_padleft_less) & (~sign)
    extrema = (peaks | valleys)[:, 0, :]  # squeeze channel dim (C == 1)
    x0 = x[:, 0, :]

    def per_batch(e_, x_):
        # descending sort by |value| at extrema positions; non-extrema keyed to
        # +inf so the stable sort places them last and they never participate
        sort_key = jnp.where(e_, -jnp.abs(x_), jnp.inf)
        extrema_indices_sorted = jnp.argsort(sort_key)
        is_secondary_init = ~e_[extrema_indices_sorted]

        def body(i, is_secondary_extrema):
            extrema_index = extrema_indices_sorted[i]
            r = extrema_indices_sorted >= extrema_index - minimum_extrema_distance
            l = extrema_indices_sorted <= extrema_index + minimum_extrema_distance
            m = r & l
            updated = (is_secondary_extrema | m).at[i].set(False)
            return jnp.where(is_secondary_extrema[i], is_secondary_extrema, updated)

        is_secondary_extrema = jax.lax.fori_loop(0, W, body, is_secondary_init)
        return jnp.zeros(W, dtype=bool).at[extrema_indices_sorted].set(
            ~is_secondary_extrema
        )

    mask = jax.vmap(per_batch)(extrema, x0)
    return mask[:, None, :]


def reference(input) -> jnp.ndarray:
    # primary_extrema is zeros everywhere except x's values at the surviving
    # (primary) extrema positions, i.e. exactly x * mask for C == 1.
    x = input
    mask = _primary_extrema_mask(x, MINIMUM_EXTREMA_DISTANCE)
    return x * mask

if __name__ == "__main__":
    import jax
    _d = setup_inputs()
    print(jax.jit(kernel)(*tuple(_d.values())))

</pallas_src>

<mosaic_0001>
#map = affine_map<(d0, d1) -> (0, 0)>
module attributes {stable_mosaic.version = 14 : i64} {
  func.func @_extrema_nms_body(%arg0: i32, %arg1: i32, %arg2: memref<8x2048xf32, #tpu.memory_space<hbm>>, %arg3: memref<8x2048xf32, #tpu.memory_space<hbm>>, %arg4: memref<2048xf32, #tpu.memory_space<vmem>>, %arg5: memref<2048xf32, #tpu.memory_space<vmem>>, %arg6: memref<64xf32, #tpu.memory_space<vmem>>, %arg7: memref<2048xf32, #tpu.memory_space<vmem>>) attributes {dimension_semantics = [#tpu.dimension_semantics<core_parallel>, #tpu.dimension_semantics<subcore_parallel>], iteration_bounds = array<i64: 2, 16>, scalar_prefetch = 0 : i64, scratch_operands = 4 : i64, tpu.core_type = #tpu.core_type<sc_vector_subcore>, window_params = [{transform_indices = #map}, {transform_indices = #map}]} {
    %mul3A = arith.constant 16 : i32
    %mul3A_0 = arith.muli %arg0, %mul3A : i32
    %add3A = arith.addi %mul3A_0, %arg1 : i32
    %lt3A = arith.constant 8 : i32
    %lt3A_1 = arith.cmpi slt, %add3A, %lt3A : i32
    %convert_element_type3A = arith.extui %lt3A_1 : i1 to i32
    %cond3A = arith.constant 0 : i32
    %cond3A_2 = arith.cmpi ne, %convert_element_type3A, %cond3A : i32
    scf.if %cond3A_2 {
      "tpu.region"() ({
        %run_scoped3A = tpu.sem_alloc : memref<!tpu.dma_semaphore, #tpu.memory_space<semaphore_mem>>
        %dma_start3A = arith.constant 0 : i32
        %dma_start3A_29 = tpu.memref_slice %arg2[%add3A, %dma_start3A] : memref<8x2048xf32, #tpu.memory_space<hbm>> -> memref<1x2048xf32, #tpu.memory_space<hbm>>
        %dma_start3A_30 = tpu.memref_squeeze %dma_start3A_29 : memref<1x2048xf32, #tpu.memory_space<hbm>> -> memref<2048xf32, #tpu.memory_space<hbm>>
        %dma_start3A_31 = arith.constant 0 : i32
        %dma_start3A_32 = tpu.memref_slice %arg2[%add3A, %dma_start3A_31] : memref<8x2048xf32, #tpu.memory_space<hbm>> -> memref<1x2048xf32, #tpu.memory_space<hbm>>
        %dma_start3A_33 = tpu.memref_squeeze %dma_start3A_32 : memref<1x2048xf32, #tpu.memory_space<hbm>> -> memref<2048xf32, #tpu.memory_space<hbm>>
        tpu.enqueue_dma source(%dma_start3A_33 : memref<2048xf32, #tpu.memory_space<hbm>>) target(%arg4 : memref<2048xf32, #tpu.memory_space<vmem>>) target_semaphore(%run_scoped3A : memref<!tpu.dma_semaphore, #tpu.memory_space<semaphore_mem>>)
        %dma_wait3A = arith.constant 0 : i32
        %dma_wait3A_34 = tpu.memref_slice %arg2[%add3A, %dma_wait3A] : memref<8x2048xf32, #tpu.memory_space<hbm>> -> memref<1x2048xf32, #tpu.memory_space<hbm>>
        %dma_wait3A_35 = tpu.memref_squeeze %dma_wait3A_34 : memref<1x2048xf32, #tpu.memory_space<hbm>> -> memref<2048xf32, #tpu.memory_space<hbm>>
        %dma_wait3A_36 = arith.constant 0 : i32
        %dma_wait3A_37 = tpu.memref_slice %arg2[%add3A, %dma_wait3A_36] : memref<8x2048xf32, #tpu.memory_space<hbm>> -> memref<1x2048xf32, #tpu.memory_space<hbm>>
        %dma_wait3A_38 = tpu.memref_squeeze %dma_wait3A_37 : memref<1x2048xf32, #tpu.memory_space<hbm>> -> memref<2048xf32, #tpu.memory_space<hbm>>
        tpu.wait_dma2 semaphore(%run_scoped3A : memref<!tpu.dma_semaphore, #tpu.memory_space<semaphore_mem>>) src(%dma_wait3A_38 : memref<2048xf32, #tpu.memory_space<hbm>>) dst(%arg4 : memref<2048xf32, #tpu.memory_space<vmem>>)
        tpu.yield
      }) : () -> ()
      %iota3A = tpu.iota {dimensions = array<i32: 0>} : vector<16xi32>
      %eq3A = arith.constant 0 : i32
      %eq3A_3 = vector.broadcast %eq3A : i32 to vector<16xi32>
      %eq3A_4 = arith.cmpi eq, %iota3A, %eq3A_3 : vector<16xi32>
      %broadcast_in_dim3A = arith.constant 0xFF800000 : f32
      %broadcast_in_dim3A_5 = vector.broadcast %broadcast_in_dim3A : f32 to vector<16xf32>
      %broadcast_in_dim3A_6 = arith.constant 65536 : i32
      %broadcast_in_dim3A_7 = vector.broadcast %broadcast_in_dim3A_6 : i32 to vector<16xi32>
      %scan3A = arith.constant 0 : i32
      %scan3A_8 = arith.constant 0 : i32
      %scan3A_9 = arith.constant 64 : i32
      %scan3A_10 = arith.addi %scan3A_8, %scan3A_9 : i32
      %scan3A_11 = arith.constant 4 : i32
      %scan3A_12 = scf.for %scan3A_29 = %scan3A_8 to %scan3A_10 step %scan3A_11 iter_args(%scan3A_30 = %scan3A) -> (i32)  : i32 {
        %mul3A_31 = arith.constant 32 : i32
        %mul3A_32 = arith.muli %scan3A_29, %mul3A_31 : i32
        %add3A_33 = arith.constant 0 : i32
        %add3A_34 = arith.addi %mul3A_32, %add3A_33 : i32
        %add3A_35 = vector.broadcast %add3A_34 : i32 to vector<16xi32>
        %add3A_36 = arith.addi %add3A_35, %iota3A : vector<16xi32>
        %get3A_37 = arith.index_cast %add3A_34 : i32 to index
        %get3A_38 = tpu.vector_load %arg4[%get3A_37] {strides = array<i32>} : memref<2048xf32, #tpu.memory_space<vmem>>, vector<16xf32>,
        %sub3A = arith.constant 1 : i32
        %sub3A_39 = vector.broadcast %sub3A : i32 to vector<16xi32>
        %sub3A_40 = arith.subi %add3A_36, %sub3A_39 : vector<16xi32>
        %max3A_41 = arith.constant 0 : i32
        %max3A_42 = vector.broadcast %max3A_41 : i32 to vector<16xi32>
        %max3A_43 = arith.maxsi %sub3A_40, %max3A_42 : vector<16xi32>
        %gather3A = tpu.vector_load_idx %arg4[%max3A_43] : memref<2048xf32, #tpu.memory_space<vmem>>[vector<16xi32>], vector<16xf32>,
        %add3A_44 = arith.constant 1 : i32
        %add3A_45 = vector.broadcast %add3A_44 : i32 to vector<16xi32>
        %add3A_46 = arith.addi %add3A_36, %add3A_45 : vector<16xi32>
        %min3A = arith.constant 2047 : i32
        %min3A_47 = vector.broadcast %min3A : i32 to vector<16xi32>
        %min3A_48 = arith.minsi %add3A_46, %min3A_47 : vector<16xi32>
        %gather3A_49 = tpu.vector_load_idx %arg4[%min3A_48] : memref<2048xf32, #tpu.memory_space<vmem>>[vector<16xi32>], vector<16xf32>,
        %lt3A_50 = arith.constant 2047 : i32
        %lt3A_51 = vector.broadcast %lt3A_50 : i32 to vector<16xi32>
        %lt3A_52 = arith.cmpi slt, %add3A_36, %lt3A_51 : vector<16xi32>
        %sub3A_53 = arith.subf %gather3A_49, %get3A_38 : vector<16xf32>
        %gt3A_54 = arith.constant 0.000000e+00 : f32
        %gt3A_55 = vector.broadcast %gt3A_54 : f32 to vector<16xf32>
        %gt3A_56 = arith.cmpf ogt, %sub3A_53, %gt3A_55 : vector<16xf32>
        %and3A = arith.andi %lt3A_52, %gt3A_56 : vector<16xi1>
        %eq3A_57 = arith.constant 0 : i32
        %eq3A_58 = vector.broadcast %eq3A_57 : i32 to vector<16xi32>
        %eq3A_59 = arith.cmpi eq, %add3A_36, %eq3A_58 : vector<16xi32>
        %sub3A_60 = arith.subf %get3A_38, %gather3A : vector<16xf32>
        %le3A = arith.constant 0.000000e+00 : f32
        %le3A_61 = vector.broadcast %le3A : f32 to vector<16xf32>
        %le3A_62 = arith.cmpf ole, %sub3A_60, %le3A_61 : vector<16xf32>
        %or3A = arith.ori %eq3A_59, %le3A_62 : vector<16xi1>
        %le3A_63 = arith.constant 0.000000e+00 : f32
        %le3A_64 = vector.broadcast %le3A_63 : f32 to vector<16xf32>
        %le3A_65 = arith.cmpf ole, %get3A_38, %le3A_64 : vector<16xf32>
        %and3A_66 = arith.andi %and3A, %or3A : vector<16xi1>
        %and3A_67 = arith.andi %and3A_66, %le3A_65 : vector<16xi1>
        %not3A = arith.constant dense<true> : vector<16xi1>
        %not3A_68 = arith.xori %and3A, %not3A : vector<16xi1>
        %not3A_69 = arith.constant dense<true> : vector<16xi1>
        %not3A_70 = arith.xori %or3A, %not3A_69 : vector<16xi1>
        %and3A_71 = arith.andi %not3A_68, %not3A_70 : vector<16xi1>
        %not3A_72 = arith.constant dense<true> : vector<16xi1>
        %not3A_73 = arith.xori %le3A_65, %not3A_72 : vector<16xi1>
        %and3A_74 = arith.andi %and3A_71, %not3A_73 : vector<16xi1>
        %or3A_75 = arith.ori %and3A_67, %and3A_74 : vector<16xi1>
        %abs3A = math.absf %get3A_38 : vector<16xf32>
        %select_n3A = arith.select %or3A_75, %abs3A, %broadcast_in_dim3A_5 : vector<16xi1>, vector<16xf32>
        %swap3A = arith.index_cast %add3A_34 : i32 to index
        %swap3A_76 = tpu.vector_load %arg5[%swap3A] {strides = array<i32>} : memref<2048xf32, #tpu.memory_space<vmem>>, vector<16xf32>,
        tpu.vector_store %arg5[%swap3A], %select_n3A {strides = array<i32>} : memref<2048xf32, #tpu.memory_space<vmem>>, vector<16xf32>,
        %broadcast_in_dim3A_77 = arith.constant 0.000000e+00 : f32
        %broadcast_in_dim3A_78 = vector.broadcast %broadcast_in_dim3A_77 : f32 to vector<16xf32>
        %swap3A_79 = arith.index_cast %add3A_34 : i32 to index
        %swap3A_80 = tpu.vector_load %arg7[%swap3A_79] {strides = array<i32>} : memref<2048xf32, #tpu.memory_space<vmem>>, vector<16xf32>,
        tpu.vector_store %arg7[%swap3A_79], %broadcast_in_dim3A_78 {strides = array<i32>} : memref<2048xf32, #tpu.memory_space<vmem>>, vector<16xf32>,
        %add3A_81 = arith.constant 16 : i32
        %add3A_82 = arith.addi %mul3A_32, %add3A_81 : i32
        %add3A_83 = vector.broadcast %add3A_82 : i32 to vector<16xi32>
        %add3A_84 = arith.addi %add3A_83, %iota3A : vector<16xi32>
        %get3A_85 = arith.index_cast %add3A_82 : i32 to index
        %get3A_86 = tpu.vector_load %arg4[%get3A_85] {strides = array<i32>} : memref<2048xf32, #tpu.memory_space<vmem>>, vector<16xf32>,
        %sub3A_87 = arith.constant 1 : i32
        %sub3A_88 = vector.broadcast %sub3A_87 : i32 to vector<16xi32>
        %sub3A_89 = arith.subi %add3A_84, %sub3A_88 : vector<16xi32>
        %max3A_90 = arith.constant 0 : i32
        %max3A_91 = vector.broadcast %max3A_90 : i32 to vector<16xi32>
        %max3A_92 = arith.maxsi %sub3A_89, %max3A_91 : vector<16xi32>
        %gather3A_93 = tpu.vector_load_idx %arg4[%max3A_92] : memref<2048xf32, #tpu.memory_space<vmem>>[vector<16xi32>], vector<16xf32>,
        %add3A_94 = arith.constant 1 : i32
        %add3A_95 = vector.broadcast %add3A_94 : i32 to vector<16xi32>
        %add3A_96 = arith.addi %add3A_84, %add3A_95 : vector<16xi32>
        %min3A_97 = arith.constant 2047 : i32
        %min3A_98 = vector.broadcast %min3A_97 : i32 to vector<16xi32>
        %min3A_99 = arith.minsi %add3A_96, %min3A_98 : vector<16xi32>
        %gather3A_100 = tpu.vector_load_idx %arg4[%min3A_99] : memref<2048xf32, #tpu.memory_space<vmem>>[vector<16xi32>], vector<16xf32>,
        %lt3A_101 = arith.constant 2047 : i32
        %lt3A_102 = vector.broadcast %lt3A_101 : i32 to vector<16xi32>
        %lt3A_103 = arith.cmpi slt, %add3A_84, %lt3A_102 : vector<16xi32>
        %sub3A_104 = arith.subf %gather3A_100, %get3A_86 : vector<16xf32>
        %gt3A_105 = arith.constant 0.000000e+00 : f32
        %gt3A_106 = vector.broadcast %gt3A_105 : f32 to vector<16xf32>
        %gt3A_107 = arith.cmpf ogt, %sub3A_104, %gt3A_106 : vector<16xf32>
        %and3A_108 = arith.andi %lt3A_103, %gt3A_107 : vector<16xi1>
        %eq3A_109 = arith.constant 0 : i32
        %eq3A_110 = vector.broadcast %eq3A_109 : i32 to vector<16xi32>
        %eq3A_111 = arith.cmpi eq, %add3A_84, %eq3A_110 : vector<16xi32>
        %sub3A_112 = arith.subf %get3A_86, %gather3A_93 : vector<16xf32>
        %le3A_113 = arith.constant 0.000000e+00 : f32
        %le3A_114 = vector.broadcast %le3A_113 : f32 to vector<16xf32>
        %le3A_115 = arith.cmpf ole, %sub3A_112, %le3A_114 : vector<16xf32>
        %or3A_116 = arith.ori %eq3A_111, %le3A_115 : vector<16xi1>
        %le3A_117 = arith.constant 0.000000e+00 : f32
        %le3A_118 = vector.broadcast %le3A_117 : f32 to vector<16xf32>
        %le3A_119 = arith.cmpf ole, %get3A_86, %le3A_118 : vector<16xf32>
        %and3A_120 = arith.andi %and3A_108, %or3A_116 : vector<16xi1>
        %and3A_121 = arith.andi %and3A_120, %le3A_119 : vector<16xi1>
        %not3A_122 = arith.constant dense<true> : vector<16xi1>
        %not3A_123 = arith.xori %and3A_108, %not3A_122 : vector<16xi1>
        %not3A_124 = arith.constant dense<true> : vector<16xi1>
        %not3A_125 = arith.xori %or3A_116, %not3A_124 : vector<16xi1>
        %and3A_126 = arith.andi %not3A_123, %not3A_125 : vector<16xi1>
        %not3A_127 = arith.constant dense<true> : vector<16xi1>
        %not3A_128 = arith.xori %le3A_119, %not3A_127 : vector<16xi1>
        %and3A_129 = arith.andi %and3A_126, %not3A_128 : vector<16xi1>
        %or3A_130 = arith.ori %and3A_121, %and3A_129 : vector<16xi1>
        %abs3A_131 = math.absf %get3A_86 : vector<16xf32>
        %select_n3A_132 = arith.select %or3A_130, %abs3A_131, %broadcast_in_dim3A_5 : vector<16xi1>, vector<16xf32>
        %swap3A_133 = arith.index_cast %add3A_82 : i32 to index
        %swap3A_134 = tpu.vector_load %arg5[%swap3A_133] {strides = array<i32>} : memref<2048xf32, #tpu.memory_space<vmem>>, vector<16xf32>,
        tpu.vector_store %arg5[%swap3A_133], %select_n3A_132 {strides = array<i32>} : memref<2048xf32, #tpu.memory_space<vmem>>, vector<16xf32>,
        %broadcast_in_dim3A_135 = arith.constant 0.000000e+00 : f32
        %broadcast_in_dim3A_136 = vector.broadcast %broadcast_in_dim3A_135 : f32 to vector<16xf32>
        %swap3A_137 = arith.index_cast %add3A_82 : i32 to index
        %swap3A_138 = tpu.vector_load %arg7[%swap3A_137] {strides = array<i32>} : memref<2048xf32, #tpu.memory_space<vmem>>, vector<16xf32>,
        tpu.vector_store %arg7[%swap3A_137], %broadcast_in_dim3A_136 {strides = array<i32>} : memref<2048xf32, #tpu.memory_space<vmem>>, vector<16xf32>,
        %broadcast_in_dim3A_139 = vector.broadcast %scan3A_29 : i32 to vector<16xi32>
        %max3A_140 = arith.maximumf %select_n3A, %select_n3A_132 : vector<16xf32>
        %xor3A = arith.constant 8 : i32
        %xor3A_141 = vector.broadcast %xor3A : i32 to vector<16xi32>
        %xor3A_142 = arith.xori %iota3A, %xor3A_141 : vector<16xi32>
        %lt3A_143 = arith.constant 0 : i32
        %lt3A_144 = vector.broadcast %lt3A_143 : i32 to vector<16xi32>
        %lt3A_145 = arith.cmpi slt, %xor3A_142, %lt3A_144 : vector<16xi32>
        %add3A_146 = arith.constant 16 : i32
        %add3A_147 = vector.broadcast %add3A_146 : i32 to vector<16xi32>
        %add3A_148 = arith.addi %xor3A_142, %add3A_147 : vector<16xi32>
        %select_n3A_149 = arith.select %lt3A_145, %add3A_148, %xor3A_142 : vector<16xi1>, vector<16xi32>
        %reshape3A = vector.shape_cast %select_n3A_149 : vector<16xi32> to vector<16x1xi32>
        %gather3A_150 = vector.shape_cast %reshape3A : vector<16x1xi32> to vector<16xi32>
        %gather3A_151 = tpu.dynamic_gather %max3A_140[%gather3A_150] in [0] : vector<16xf32>, vector<16xi32> -> vector<16xf32>
        %max3A_152 = arith.maximumf %max3A_140, %gather3A_151 : vector<16xf32>
        %xor3A_153 = arith.constant 4 : i32
        %xor3A_154 = vector.broadcast %xor3A_153 : i32 to vector<16xi32>
        %xor3A_155 = arith.xori %iota3A, %xor3A_154 : vector<16xi32>
        %lt3A_156 = arith.constant 0 : i32
        %lt3A_157 = vector.broadcast %lt3A_156 : i32 to vector<16xi32>
        %lt3A_158 = arith.cmpi slt, %xor3A_155, %lt3A_157 : vector<16xi32>
        %add3A_159 = arith.constant 16 : i32
        %add3A_160 = vector.broadcast %add3A_159 : i32 to vector<16xi32>
        %add3A_161 = arith.addi %xor3A_155, %add3A_160 : vector<16xi32>
        %select_n3A_162 = arith.select %lt3A_158, %add3A_161, %xor3A_155 : vector<16xi1>, vector<16xi32>
        %reshape3A_163 = vector.shape_cast %select_n3A_162 : vector<16xi32> to vector<16x1xi32>
        %gather3A_164 = vector.shape_cast %reshape3A_163 : vector<16x1xi32> to vector<16xi32>
        %gather3A_165 = tpu.dynamic_gather %max3A_152[%gather3A_164] in [0] : vector<16xf32>, vector<16xi32> -> vector<16xf32>
        %max3A_166 = arith.maximumf %max3A_152, %gather3A_165 : vector<16xf32>
        %xor3A_167 = arith.constant 2 : i32
        %xor3A_168 = vector.broadcast %xor3A_167 : i32 to vector<16xi32>
        %xor3A_169 = arith.xori %iota3A, %xor3A_168 : vector<16xi32>
        %lt3A_170 = arith.constant 0 : i32
        %lt3A_171 = vector.broadcast %lt3A_170 : i32 to vector<16xi32>
        %lt3A_172 = arith.cmpi slt, %xor3A_169, %lt3A_171 : vector<16xi32>
        %add3A_173 = arith.constant 16 : i32
        %add3A_174 = vector.broadcast %add3A_173 : i32 to vector<16xi32>
        %add3A_175 = arith.addi %xor3A_169, %add3A_174 : vector<16xi32>
        %select_n3A_176 = arith.select %lt3A_172, %add3A_175, %xor3A_169 : vector<16xi1>, vector<16xi32>
        %reshape3A_177 = vector.shape_cast %select_n3A_176 : vector<16xi32> to vector<16x1xi32>
        %gather3A_178 = vector.shape_cast %reshape3A_177 : vector<16x1xi32> to vector<16xi32>
        %gather3A_179 = tpu.dynamic_gather %max3A_166[%gather3A_178] in [0] : vector<16xf32>, vector<16xi32> -> vector<16xf32>
        %max3A_180 = arith.maximumf %max3A_166, %gather3A_179 : vector<16xf32>
        %xor3A_181 = arith.constant 1 : i32
        %xor3A_182 = vector.broadcast %xor3A_181 : i32 to vector<16xi32>
        %xor3A_183 = arith.xori %iota3A, %xor3A_182 : vector<16xi32>
        %lt3A_184 = arith.constant 0 : i32
        %lt3A_185 = vector.broadcast %lt3A_184 : i32 to vector<16xi32>
        %lt3A_186 = arith.cmpi slt, %xor3A_183, %lt3A_185 : vector<16xi32>
        %add3A_187 = arith.constant 16 : i32
        %add3A_188 = vector.broadcast %add3A_187 : i32 to vector<16xi32>
        %add3A_189 = arith.addi %xor3A_183, %add3A_188 : vector<16xi32>
        %select_n3A_190 = arith.select %lt3A_186, %add3A_189, %xor3A_183 : vector<16xi1>, vector<16xi32>
        %reshape3A_191 = vector.shape_cast %select_n3A_190 : vector<16xi32> to vector<16x1xi32>
        %gather3A_192 = vector.shape_cast %reshape3A_191 : vector<16x1xi32> to vector<16xi32>
        %gather3A_193 = tpu.dynamic_gather %max3A_180[%gather3A_192] in [0] : vector<16xf32>, vector<16xi32> -> vector<16xf32>
        %max3A_194 = arith.maximumf %max3A_180, %gather3A_193 : vector<16xf32>
        tpu.vector_store_idx %arg6[%broadcast_in_dim3A_139], %max3A_194 masked %eq3A_4 : memref<64xf32, #tpu.memory_space<vmem>>[vector<16xi32>], vector<16xf32>, vector<16xi1>
        %scan3A_195 = arith.constant 0 : i32
        %scan3A_196 = arith.constant 1 : i32
        %scan3A_197 = arith.addi %scan3A_29, %scan3A_196 : i32
        %mul3A_198 = arith.constant 32 : i32
        %mul3A_199 = arith.muli %scan3A_197, %mul3A_198 : i32
        %add3A_200 = arith.constant 0 : i32
        %add3A_201 = arith.addi %mul3A_199, %add3A_200 : i32
        %add3A_202 = vector.broadcast %add3A_201 : i32 to vector<16xi32>
        %add3A_203 = arith.addi %add3A_202, %iota3A : vector<16xi32>
        %get3A_204 = arith.index_cast %add3A_201 : i32 to index
        %get3A_205 = tpu.vector_load %arg4[%get3A_204] {strides = array<i32>} : memref<2048xf32, #tpu.memory_space<vmem>>, vector<16xf32>,
        %sub3A_206 = arith.constant 1 : i32
        %sub3A_207 = vector.broadcast %sub3A_206 : i32 to vector<16xi32>
        %sub3A_208 = arith.subi %add3A_203, %sub3A_207 : vector<16xi32>
        %max3A_209 = arith.constant 0 : i32
        %max3A_210 = vector.broadcast %max3A_209 : i32 to vector<16xi32>
        %max3A_211 = arith.maxsi %sub3A_208, %max3A_210 : vector<16xi32>
        %gather3A_212 = tpu.vector_load_idx %arg4[%max3A_211] : memref<2048xf32, #tpu.memory_space<vmem>>[vector<16xi32>], vector<16xf32>,
        %add3A_213 = arith.constant 1 : i32
        %add3A_214 = vector.broadcast %add3A_213 : i32 to vector<16xi32>
        %add3A_215 = arith.addi %add3A_203, %add3A_214 : vector<16xi32>
        %min3A_216 = arith.constant 2047 : i32
        %min3A_217 = vector.broadcast %min3A_216 : i32 to vector<16xi32>
        %min3A_218 = arith.minsi %add3A_215, %min3A_217 : vector<16xi32>
        %gather3A_219 = tpu.vector_load_idx %arg4[%min3A_218] : memref<2048xf32, #tpu.memory_space<vmem>>[vector<16xi32>], vector<16xf32>,
        %lt3A_220 = arith.constant 2047 : i32
        %lt3A_221 = vector.broadcast %lt3A_220 : i32 to vector<16xi32>
        %lt3A_222 = arith.cmpi slt, %add3A_203, %lt3A_221 : vector<16xi32>
        %sub3A_223 = arith.subf %gather3A_219, %get3A_205 : vector<16xf32>
        %gt3A_224 = arith.constant 0.000000e+00 : f32
        %gt3A_225 = vector.broadcast %gt3A_224 : f32 to vector<16xf32>
        %gt3A_226 = arith.cmpf ogt, %sub3A_223, %gt3A_225 : vector<16xf32>
        %and3A_227 = arith.andi %lt3A_222, %gt3A_226 : vector<16xi1>
        %eq3A_228 = arith.constant 0 : i32
        %eq3A_229 = vector.broadcast %eq3A_228 : i32 to vector<16xi32>
        %eq3A_230 = arith.cmpi eq, %add3A_203, %eq3A_229 : vector<16xi32>
        %sub3A_231 = arith.subf %get3A_205, %gather3A_212 : vector<16xf32>
        %le3A_232 = arith.constant 0.000000e+00 : f32
        %le3A_233 = vector.broadcast %le3A_232 : f32 to vector<16xf32>
        %le3A_234 = arith.cmpf ole, %sub3A_231, %le3A_233 : vector<16xf32>
        %or3A_235 = arith.ori %eq3A_230, %le3A_234 : vector<16xi1>
        %le3A_236 = arith.constant 0.000000e+00 : f32
        %le3A_237 = vector.broadcast %le3A_236 : f32 to vector<16xf32>
        %le3A_238 = arith.cmpf ole, %get3A_205, %le3A_237 : vector<16xf32>
        %and3A_239 = arith.andi %and3A_227, %or3A_235 : vector<16xi1>
        %and3A_240 = arith.andi %and3A_239, %le3A_238 : vector<16xi1>
        %not3A_241 = arith.constant dense<true> : vector<16xi1>
        %not3A_242 = arith.xori %and3A_227, %not3A_241 : vector<16xi1>
        %not3A_243 = arith.constant dense<true> : vector<16xi1>
        %not3A_244 = arith.xori %or3A_235, %not3A_243 : vector<16xi1>
        %and3A_245 = arith.andi %not3A_242, %not3A_244 : vector<16xi1>
        %not3A_246 = arith.constant dense<true> : vector<16xi1>
        %not3A_247 = arith.xori %le3A_238, %not3A_246 : vector<16xi1>
        %and3A_248 = arith.andi %and3A_245, %not3A_247 : vector<16xi1>
        %or3A_249 = arith.ori %and3A_240, %and3A_248 : vector<16xi1>
        %abs3A_250 = math.absf %get3A_205 : vector<16xf32>
        %select_n3A_251 = arith.select %or3A_249, %abs3A_250, %broadcast_in_dim3A_5 : vector<16xi1>, vector<16xf32>
        %swap3A_252 = arith.index_cast %add3A_201 : i32 to index
        %swap3A_253 = tpu.vector_load %arg5[%swap3A_252] {strides = array<i32>} : memref<2048xf32, #tpu.memory_space<vmem>>, vector<16xf32>,
        tpu.vector_store %arg5[%swap3A_252], %select_n3A_251 {strides = array<i32>} : memref<2048xf32, #tpu.memory_space<vmem>>, vector<16xf32>,
        %broadcast_in_dim3A_254 = arith.constant 0.000000e+00 : f32
        %broadcast_in_dim3A_255 = vector.broadcast %broadcast_in_dim3A_254 : f32 to vector<16xf32>
        %swap3A_256 = arith.index_cast %add3A_201 : i32 to index
        %swap3A_257 = tpu.vector_load %arg7[%swap3A_256] {strides = array<i32>} : memref<2048xf32, #tpu.memory_space<vmem>>, vector<16xf32>,
        tpu.vector_store %arg7[%swap3A_256], %broadcast_in_dim3A_255 {strides = array<i32>} : memref<2048xf32, #tpu.memory_space<vmem>>, vector<16xf32>,
        %add3A_258 = arith.constant 16 : i32
        %add3A_259 = arith.addi %mul3A_199, %add3A_258 : i32
        %add3A_260 = vector.broadcast %add3A_259 : i32 to vector<16xi32>
        %add3A_261 = arith.addi %add3A_260, %iota3A : vector<16xi32>
        %get3A_262 = arith.index_cast %add3A_259 : i32 to index
        %get3A_263 = tpu.vector_load %arg4[%get3A_262] {strides = array<i32>} : memref<2048xf32, #tpu.memory_space<vmem>>, vector<16xf32>,
        %sub3A_264 = arith.constant 1 : i32
        %sub3A_265 = vector.broadcast %sub3A_264 : i32 to vector<16xi32>
        %sub3A_266 = arith.subi %add3A_261, %sub3A_265 : vector<16xi32>
        %max3A_267 = arith.constant 0 : i32
        %max3A_268 = vector.broadcast %max3A_267 : i32 to vector<16xi32>
        %max3A_269 = arith.maxsi %sub3A_266, %max3A_268 : vector<16xi32>
        %gather3A_270 = tpu.vector_load_idx %arg4[%max3A_269] : memref<2048xf32, #tpu.memory_space<vmem>>[vector<16xi32>], vector<16xf32>,
        %add3A_271 = arith.constant 1 : i32
        %add3A_272 = vector.broadcast %add3A_271 : i32 to vector<16xi32>
        %add3A_273 = arith.addi %add3A_261, %add3A_272 : vector<16xi32>
        %min3A_274 = arith.constant 2047 : i32
        %min3A_275 = vector.broadcast %min3A_274 : i32 to vector<16xi32>
        %min3A_276 = arith.minsi %add3A_273, %min3A_275 : vector<16xi32>
        %gather3A_277 = tpu.vector_load_idx %arg4[%min3A_276] : memref<2048xf32, #tpu.memory_space<vmem>>[vector<16xi32>], vector<16xf32>,
        %lt3A_278 = arith.constant 2047 : i32
        %lt3A_279 = vector.broadcast %lt3A_278 : i32 to vector<16xi32>
        %lt3A_280 = arith.cmpi slt, %add3A_261, %lt3A_279 : vector<16xi32>
        %sub3A_281 = arith.subf %gather3A_277, %get3A_263 : vector<16xf32>
        %gt3A_282 = arith.constant 0.000000e+00 : f32
        %gt3A_283 = vector.broadcast %gt3A_282 : f32 to vector<16xf32>
        %gt3A_284 = arith.cmpf ogt, %sub3A_281, %gt3A_283 : vector<16xf32>
        %and3A_285 = arith.andi %lt3A_280, %gt3A_284 : vector<16xi1>
        %eq3A_286 = arith.constant 0 : i32
        %eq3A_287 = vector.broadcast %eq3A_286 : i32 to vector<16xi32>
        %eq3A_288 = arith.cmpi eq, %add3A_261, %eq3A_287 : vector<16xi32>
        %sub3A_289 = arith.subf %get3A_263, %gather3A_270 : vector<16xf32>
        %le3A_290 = arith.constant 0.000000e+00 : f32
        %le3A_291 = vector.broadcast %le3A_290 : f32 to vector<16xf32>
        %le3A_292 = arith.cmpf ole, %sub3A_289, %le3A_291 : vector<16xf32>
        %or3A_293 = arith.ori %eq3A_288, %le3A_292 : vector<16xi1>
        %le3A_294 = arith.constant 0.000000e+00 : f32
        %le3A_295 = vector.broadcast %le3A_294 : f32 to vector<16xf32>
        %le3A_296 = arith.cmpf ole, %get3A_263, %le3A_295 : vector<16xf32>
        %and3A_297 = arith.andi %and3A_285, %or3A_293 : vector<16xi1>
        %and3A_298 = arith.andi %and3A_297, %le3A_296 : vector<16xi1>
        %not3A_299 = arith.constant dense<true> : vector<16xi1>
        %not3A_300 = arith.xori %and3A_285, %not3A_299 : vector<16xi1>
        %not3A_301 = arith.constant dense<true> : vector<16xi1>
        %not3A_302 = arith.xori %or3A_293, %not3A_301 : vector<16xi1>
        %and3A_303 = arith.andi %not3A_300, %not3A_302 : vector<16xi1>
        %not3A_304 = arith.constant dense<true> : vector<16xi1>
        %not3A_305 = arith.xori %le3A_296, %not3A_304 : vector<16xi1>
        %and3A_306 = arith.andi %and3A_303, %not3A_305 : vector<16xi1>
        %or3A_307 = arith.ori %and3A_298, %and3A_306 : vector<16xi1>
        %abs3A_308 = math.absf %get3A_263 : vector<16xf32>
        %select_n3A_309 = arith.select %or3A_307, %abs3A_308, %broadcast_in_dim3A_5 : vector<16xi1>, vector<16xf32>
        %swap3A_310 = arith.index_cast %add3A_259 : i32 to index
        %swap3A_311 = tpu.vector_load %arg5[%swap3A_310] {strides = array<i32>} : memref<2048xf32, #tpu.memory_space<vmem>>, vector<16xf32>,
        tpu.vector_store %arg5[%swap3A_310], %select_n3A_309 {strides = array<i32>} : memref<2048xf32, #tpu.memory_space<vmem>>, vector<16xf32>,
        %broadcast_in_dim3A_312 = arith.constant 0.000000e+00 : f32
        %broadcast_in_dim3A_313 = vector.broadcast %broadcast_in_dim3A_312 : f32 to vector<16xf32>
        %swap3A_314 = arith.index_cast %add3A_259 : i32 to index
        %swap3A_315 = tpu.vector_load %arg7[%swap3A_314] {strides = array<i32>} : memref<2048xf32, #tpu.memory_space<vmem>>, vector<16xf32>,
        tpu.vector_store %arg7[%swap3A_314], %broadcast_in_dim3A_313 {strides = array<i32>} : memref<2048xf32, #tpu.memory_space<vmem>>, vector<16xf32>,
        %broadcast_in_dim3A_316 = vector.broadcast %scan3A_197 : i32 to vector<16xi32>
        %max3A_317 = arith.maximumf %select_n3A_251, %select_n3A_309 : vector<16xf32>
        %xor3A_318 = arith.constant 8 : i32
        %xor3A_319 = vector.broadcast %xor3A_318 : i32 to vector<16xi32>
        %xor3A_320 = arith.xori %iota3A, %xor3A_319 : vector<16xi32>
        %lt3A_321 = arith.constant 0 : i32
        %lt3A_322 = vector.broadcast %lt3A_321 : i32 to vector<16xi32>
        %lt3A_323 = arith.cmpi slt, %xor3A_320, %lt3A_322 : vector<16xi32>
        %add3A_324 = arith.constant 16 : i32
        %add3A_325 = vector.broadcast %add3A_324 : i32 to vector<16xi32>
        %add3A_326 = arith.addi %xor3A_320, %add3A_325 : vector<16xi32>
        %select_n3A_327 = arith.select %lt3A_323, %add3A_326, %xor3A_320 : vector<16xi1>, vector<16xi32>
        %reshape3A_328 = vector.shape_cast %select_n3A_327 : vector<16xi32> to vector<16x1xi32>
        %gather3A_329 = vector.shape_cast %reshape3A_328 : vector<16x1xi32> to vector<16xi32>
        %gather3A_330 = tpu.dynamic_gather %max3A_317[%gather3A_329] in [0] : vector<16xf32>, vector<16xi32> -> vector<16xf32>
        %max3A_331 = arith.maximumf %max3A_317, %gather3A_330 : vector<16xf32>
        %xor3A_332 = arith.constant 4 : i32
        %xor3A_333 = vector.broadcast %xor3A_332 : i32 to vector<16xi32>
        %xor3A_334 = arith.xori %iota3A, %xor3A_333 : vector<16xi32>
        %lt3A_335 = arith.constant 0 : i32
        %lt3A_336 = vector.broadcast %lt3A_335 : i32 to vector<16xi32>
        %lt3A_337 = arith.cmpi slt, %xor3A_334, %lt3A_336 : vector<16xi32>
        %add3A_338 = arith.constant 16 : i32
        %add3A_339 = vector.broadcast %add3A_338 : i32 to vector<16xi32>
        %add3A_340 = arith.addi %xor3A_334, %add3A_339 : vector<16xi32>
        %select_n3A_341 = arith.select %lt3A_337, %add3A_340, %xor3A_334 : vector<16xi1>, vector<16xi32>
        %reshape3A_342 = vector.shape_cast %select_n3A_341 : vector<16xi32> to vector<16x1xi32>
        %gather3A_343 = vector.shape_cast %reshape3A_342 : vector<16x1xi32> to vector<16xi32>
        %gather3A_344 = tpu.dynamic_gather %max3A_331[%gather3A_343] in [0] : vector<16xf32>, vector<16xi32> -> vector<16xf32>
        %max3A_345 = arith.maximumf %max3A_331, %gather3A_344 : vector<16xf32>
        %xor3A_346 = arith.constant 2 : i32
        %xor3A_347 = vector.broadcast %xor3A_346 : i32 to vector<16xi32>
        %xor3A_348 = arith.xori %iota3A, %xor3A_347 : vector<16xi32>
        %lt3A_349 = arith.constant 0 : i32
        %lt3A_350 = vector.broadcast %lt3A_349 : i32 to vector<16xi32>
        %lt3A_351 = arith.cmpi slt, %xor3A_348, %lt3A_350 : vector<16xi32>
        %add3A_352 = arith.constant 16 : i32
        %add3A_353 = vector.broadcast %add3A_352 : i32 to vector<16xi32>
        %add3A_354 = arith.addi %xor3A_348, %add3A_353 : vector<16xi32>
        %select_n3A_355 = arith.select %lt3A_351, %add3A_354, %xor3A_348 : vector<16xi1>, vector<16xi32>
        %reshape3A_356 = vector.shape_cast %select_n3A_355 : vector<16xi32> to vector<16x1xi32>
        %gather3A_357 = vector.shape_cast %reshape3A_356 : vector<16x1xi32> to vector<16xi32>
        %gather3A_358 = tpu.dynamic_gather %max3A_345[%gather3A_357] in [0] : vector<16xf32>, vector<16xi32> -> vector<16xf32>
        %max3A_359 = arith.maximumf %max3A_345, %gather3A_358 : vector<16xf32>
        %xor3A_360 = arith.constant 1 : i32
        %xor3A_361 = vector.broadcast %xor3A_360 : i32 to vector<16xi32>
        %xor3A_362 = arith.xori %iota3A, %xor3A_361 : vector<16xi32>
        %lt3A_363 = arith.constant 0 : i32
        %lt3A_364 = vector.broadcast %lt3A_363 : i32 to vector<16xi32>
        %lt3A_365 = arith.cmpi slt, %xor3A_362, %lt3A_364 : vector<16xi32>
        %add3A_366 = arith.constant 16 : i32
        %add3A_367 = vector.broadcast %add3A_366 : i32 to vector<16xi32>
        %add3A_368 = arith.addi %xor3A_362, %add3A_367 : vector<16xi32>
        %select_n3A_369 = arith.select %lt3A_365, %add3A_368, %xor3A_362 : vector<16xi1>, vector<16xi32>
        %reshape3A_370 = vector.shape_cast %select_n3A_369 : vector<16xi32> to vector<16x1xi32>
        %gather3A_371 = vector.shape_cast %reshape3A_370 : vector<16x1xi32> to vector<16xi32>
        %gather3A_372 = tpu.dynamic_gather %max3A_359[%gather3A_371] in [0] : vector<16xf32>, vector<16xi32> -> vector<16xf32>
        %max3A_373 = arith.maximumf %max3A_359, %gather3A_372 : vector<16xf32>
        tpu.vector_store_idx %arg6[%broadcast_in_dim3A_316], %max3A_373 masked %eq3A_4 : memref<64xf32, #tpu.memory_space<vmem>>[vector<16xi32>], vector<16xf32>, vector<16xi1>
        %scan3A_374 = arith.constant 0 : i32
        %scan3A_375 = arith.constant 2 : i32
        %scan3A_376 = arith.addi %scan3A_29, %scan3A_375 : i32
        %mul3A_377 = arith.constant 32 : i32
        %mul3A_378 = arith.muli %scan3A_376, %mul3A_377 : i32
        %add3A_379 = arith.constant 0 : i32
        %add3A_380 = arith.addi %mul3A_378, %add3A_379 : i32
        %add3A_381 = vector.broadcast %add3A_380 : i32 to vector<16xi32>
        %add3A_382 = arith.addi %add3A_381, %iota3A : vector<16xi32>
        %get3A_383 = arith.index_cast %add3A_380 : i32 to index
        %get3A_384 = tpu.vector_load %arg4[%get3A_383] {strides = array<i32>} : memref<2048xf32, #tpu.memory_space<vmem>>, vector<16xf32>,
        %sub3A_385 = arith.constant 1 : i32
        %sub3A_386 = vector.broadcast %sub3A_385 : i32 to vector<16xi32>
        %sub3A_387 = arith.subi %add3A_382, %sub3A_386 : vector<16xi32>
        %max3A_388 = arith.constant 0 : i32
        %max3A_389 = vector.broadcast %max3A_388 : i32 to vector<16xi32>
        %max3A_390 = arith.maxsi %sub3A_387, %max3A_389 : vector<16xi32>
        %gather3A_391 = tpu.vector_load_idx %arg4[%max3A_390] : memref<2048xf32, #tpu.memory_space<vmem>>[vector<16xi32>], vector<16xf32>,
        %add3A_392 = arith.constant 1 : i32
        %add3A_393 = vector.broadcast %add3A_392 : i32 to vector<16xi32>
        %add3A_394 = arith.addi %add3A_382, %add3A_393 : vector<16xi32>
        %min3A_395 = arith.constant 2047 : i32
        %min3A_396 = vector.broadcast %min3A_395 : i32 to vector<16xi32>
        %min3A_397 = arith.minsi %add3A_394, %min3A_396 : vector<16xi32>
        %gather3A_398 = tpu.vector_load_idx %arg4[%min3A_397] : memref<2048xf32, #tpu.memory_space<vmem>>[vector<16xi32>], vector<16xf32>,
        %lt3A_399 = arith.constant 2047 : i32
        %lt3A_400 = vector.broadcast %lt3A_399 : i32 to vector<16xi32>
        %lt3A_401 = arith.cmpi slt, %add3A_382, %lt3A_400 : vector<16xi32>
        %sub3A_402 = arith.subf %gather3A_398, %get3A_384 : vector<16xf32>
        %gt3A_403 = arith.constant 0.000000e+00 : f32
        %gt3A_404 = vector.broadcast %gt3A_403 : f32 to vector<16xf32>
        %gt3A_405 = arith.cmpf ogt, %sub3A_402, %gt3A_404 : vector<16xf32>
        %and3A_406 = arith.andi %lt3A_401, %gt3A_405 : vector<16xi1>
        %eq3A_407 = arith.constant 0 : i32
        %eq3A_408 = vector.broadcast %eq3A_407 : i32 to vector<16xi32>
        %eq3A_409 = arith.cmpi eq, %add3A_382, %eq3A_408 : vector<16xi32>
        %sub3A_410 = arith.subf %get3A_384, %gather3A_391 : vector<16xf32>
        %le3A_411 = arith.constant 0.000000e+00 : f32
        %le3A_412 = vector.broadcast %le3A_411 : f32 to vector<16xf32>
        %le3A_413 = arith.cmpf ole, %sub3A_410, %le3A_412 : vector<16xf32>
        %or3A_414 = arith.ori %eq3A_409, %le3A_413 : vector<16xi1>
        %le3A_415 = arith.constant 0.000000e+00 : f32
        %le3A_416 = vector.broadcast %le3A_415 : f32 to vector<16xf32>
        %le3A_417 = arith.cmpf ole, %get3A_384, %le3A_416 : vector<16xf32>
        %and3A_418 = arith.andi %and3A_406, %or3A_414 : vector<16xi1>
        %and3A_419 = arith.andi %and3A_418, %le3A_417 : vector<16xi1>
        %not3A_420 = arith.constant dense<true> : vector<16xi1>
        %not3A_421 = arith.xori %and3A_406, %not3A_420 : vector<16xi1>
        %not3A_422 = arith.constant dense<true> : vector<16xi1>
        %not3A_423 = arith.xori %or3A_414, %not3A_422 : vector<16xi1>
        %and3A_424 = arith.andi %not3A_421, %not3A_423 : vector<16xi1>
        %not3A_425 = arith.constant dense<true> : vector<16xi1>
        %not3A_426 = arith.xori %le3A_417, %not3A_425 : vector<16xi1>
        %and3A_427 = arith.andi %and3A_424, %not3A_426 : vector<16xi1>
        %or3A_428 = arith.ori %and3A_419, %and3A_427 : vector<16xi1>
        %abs3A_429 = math.absf %get3A_384 : vector<16xf32>
        %select_n3A_430 = arith.select %or3A_428, %abs3A_429, %broadcast_in_dim3A_5 : vector<16xi1>, vector<16xf32>
        %swap3A_431 = arith.index_cast %add3A_380 : i32 to index
        %swap3A_432 = tpu.vector_load %arg5[%swap3A_431] {strides = array<i32>} : memref<2048xf32, #tpu.memory_space<vmem>>, vector<16xf32>,
        tpu.vector_store %arg5[%swap3A_431], %select_n3A_430 {strides = array<i32>} : memref<2048xf32, #tpu.memory_space<vmem>>, vector<16xf32>,
        %broadcast_in_dim3A_433 = arith.constant 0.000000e+00 : f32
        %broadcast_in_dim3A_434 = vector.broadcast %broadcast_in_dim3A_433 : f32 to vector<16xf32>
        %swap3A_435 = arith.index_cast %add3A_380 : i32 to index
        %swap3A_436 = tpu.vector_load %arg7[%swap3A_435] {strides = array<i32>} : memref<2048xf32, #tpu.memory_space<vmem>>, vector<16xf32>,
        tpu.vector_store %arg7[%swap3A_435], %broadcast_in_dim3A_434 {strides = array<i32>} : memref<2048xf32, #tpu.memory_space<vmem>>, vector<16xf32>,
        %add3A_437 = arith.constant 16 : i32
        %add3A_438 = arith.addi %mul3A_378, %add3A_437 : i32
        %add3A_439 = vector.broadcast %add3A_438 : i32 to vector<16xi32>
        %add3A_440 = arith.addi %add3A_439, %iota3A : vector<16xi32>
        %get3A_441 = arith.index_cast %add3A_438 : i32 to index
        %get3A_442 = tpu.vector_load %arg4[%get3A_441] {strides = array<i32>} : memref<2048xf32, #tpu.memory_space<vmem>>, vector<16xf32>,
        %sub3A_443 = arith.constant 1 : i32
        %sub3A_444 = vector.broadcast %sub3A_443 : i32 to vector<16xi32>
        %sub3A_445 = arith.subi %add3A_440, %sub3A_444 : vector<16xi32>
        %max3A_446 = arith.constant 0 : i32
        %max3A_447 = vector.broadcast %max3A_446 : i32 to vector<16xi32>
        %max3A_448 = arith.maxsi %sub3A_445, %max3A_447 : vector<16xi32>
        %gather3A_449 = tpu.vector_load_idx %arg4[%max3A_448] : memref<2048xf32, #tpu.memory_space<vmem>>[vector<16xi32>], vector<16xf32>,
        %add3A_450 = arith.constant 1 : i32
        %add3A_451 = vector.broadcast %add3A_450 : i32 to vector<16xi32>
        %add3A_452 = arith.addi %add3A_440, %add3A_451 : vector<16xi32>
        %min3A_453 = arith.constant 2047 : i32
        %min3A_454 = vector.broadcast %min3A_453 : i32 to vector<16xi32>
        %min3A_455 = arith.minsi %add3A_452, %min3A_454 : vector<16xi32>
        %gather3A_456 = tpu.vector_load_idx %arg4[%min3A_455] : memref<2048xf32, #tpu.memory_space<vmem>>[vector<16xi32>], vector<16xf32>,
        %lt3A_457 = arith.constant 2047 : i32
        %lt3A_458 = vector.broadcast %lt3A_457 : i32 to vector<16xi32>
        %lt3A_459 = arith.cmpi slt, %add3A_440, %lt3A_458 : vector<16xi32>
        %sub3A_460 = arith.subf %gather3A_456, %get3A_442 : vector<16xf32>
        %gt3A_461 = arith.constant 0.000000e+00 : f32
        %gt3A_462 = vector.broadcast %gt3A_461 : f32 to vector<16xf32>
        %gt3A_463 = arith.cmpf ogt, %sub3A_460, %gt3A_462 : vector<16xf32>
        %and3A_464 = arith.andi %lt3A_459, %gt3A_463 : vector<16xi1>
        %eq3A_465 = arith.constant 0 : i32
        %eq3A_466 = vector.broadcast %eq3A_465 : i32 to vector<16xi32>
        %eq3A_467 = arith.cmpi eq, %add3A_440, %eq3A_466 : vector<16xi32>
        %sub3A_468 = arith.subf %get3A_442, %gather3A_449 : vector<16xf32>
        %le3A_469 = arith.constant 0.000000e+00 : f32
        %le3A_470 = vector.broadcast %le3A_469 : f32 to vector<16xf32>
        %le3A_471 = arith.cmpf ole, %sub3A_468, %le3A_470 : vector<16xf32>
        %or3A_472 = arith.ori %eq3A_467, %le3A_471 : vector<16xi1>
        %le3A_473 = arith.constant 0.000000e+00 : f32
        %le3A_474 = vector.broadcast %le3A_473 : f32 to vector<16xf32>
        %le3A_475 = arith.cmpf ole, %get3A_442, %le3A_474 : vector<16xf32>
        %and3A_476 = arith.andi %and3A_464, %or3A_472 : vector<16xi1>
        %and3A_477 = arith.andi %and3A_476, %le3A_475 : vector<16xi1>
        %not3A_478 = arith.constant dense<true> : vector<16xi1>
        %not3A_479 = arith.xori %and3A_464, %not3A_478 : vector<16xi1>
        %not3A_480 = arith.constant dense<true> : vector<16xi1>
        %not3A_481 = arith.xori %or3A_472, %not3A_480 : vector<16xi1>
        %and3A_482 = arith.andi %not3A_479, %not3A_481 : vector<16xi1>
        %not3A_483 = arith.constant dense<true> : vector<16xi1>
        %not3A_484 = arith.xori %le3A_475, %not3A_483 : vector<16xi1>
        %and3A_485 = arith.andi %and3A_482, %not3A_484 : vector<16xi1>
        %or3A_486 = arith.ori %and3A_477, %and3A_485 : vector<16xi1>
        %abs3A_487 = math.absf %get3A_442 : vector<16xf32>
        %select_n3A_488 = arith.select %or3A_486, %abs3A_487, %broadcast_in_dim3A_5 : vector<16xi1>, vector<16xf32>
        %swap3A_489 = arith.index_cast %add3A_438 : i32 to index
        %swap3A_490 = tpu.vector_load %arg5[%swap3A_489] {strides = array<i32>} : memref<2048xf32, #tpu.memory_space<vmem>>, vector<16xf32>,
        tpu.vector_store %arg5[%swap3A_489], %select_n3A_488 {strides = array<i32>} : memref<2048xf32, #tpu.memory_space<vmem>>, vector<16xf32>,
        %broadcast_in_dim3A_491 = arith.constant 0.000000e+00 : f32
        %broadcast_in_dim3A_492 = vector.broadcast %broadcast_in_dim3A_491 : f32 to vector<16xf32>
        %swap3A_493 = arith.index_cast %add3A_438 : i32 to index
        %swap3A_494 = tpu.vector_load %arg7[%swap3A_493] {strides = array<i32>} : memref<2048xf32, #tpu.memory_space<vmem>>, vector<16xf32>,
        tpu.vector_store %arg7[%swap3A_493], %broadcast_in_dim3A_492 {strides = array<i32>} : memref<2048xf32, #tpu.memory_space<vmem>>, vector<16xf32>,
        %broadcast_in_dim3A_495 = vector.broadcast %scan3A_376 : i32 to vector<16xi32>
        %max3A_496 = arith.maximumf %select_n3A_430, %select_n3A_488 : vector<16xf32>
        %xor3A_497 = arith.constant 8 : i32
        %xor3A_498 = vector.broadcast %xor3A_497 : i32 to vector<16xi32>
        %xor3A_499 = arith.xori %iota3A, %xor3A_498 : vector<16xi32>
        %lt3A_500 = arith.constant 0 : i32
        %lt3A_501 = vector.broadcast %lt3A_500 : i32 to vector<16xi32>
        %lt3A_502 = arith.cmpi slt, %xor3A_499, %lt3A_501 : vector<16xi32>
        %add3A_503 = arith.constant 16 : i32
        %add3A_504 = vector.broadcast %add3A_503 : i32 to vector<16xi32>
        %add3A_505 = arith.addi %xor3A_499, %add3A_504 : vector<16xi32>
        %select_n3A_506 = arith.select %lt3A_502, %add3A_505, %xor3A_499 : vector<16xi1>, vector<16xi32>
        %reshape3A_507 = vector.shape_cast %select_n3A_506 : vector<16xi32> to vector<16x1xi32>
        %gather3A_508 = vector.shape_cast %reshape3A_507 : vector<16x1xi32> to vector<16xi32>
        %gather3A_509 = tpu.dynamic_gather %max3A_496[%gather3A_508] in [0] : vector<16xf32>, vector<16xi32> -> vector<16xf32>
        %max3A_510 = arith.maximumf %max3A_496, %gather3A_509 : vector<16xf32>
        %xor3A_511 = arith.constant 4 : i32
        %xor3A_512 = vector.broadcast %xor3A_511 : i32 to vector<16xi32>
        %xor3A_513 = arith.xori %iota3A, %xor3A_512 : vector<16xi32>
        %lt3A_514 = arith.constant 0 : i32
        %lt3A_515 = vector.broadcast %lt3A_514 : i32 to vector<16xi32>
        %lt3A_516 = arith.cmpi slt, %xor3A_513, %lt3A_515 : vector<16xi32>
        %add3A_517 = arith.constant 16 : i32
        %add3A_518 = vector.broadcast %add3A_517 : i32 to vector<16xi32>
        %add3A_519 = arith.addi %xor3A_513, %add3A_518 : vector<16xi32>
        %select_n3A_520 = arith.select %lt3A_516, %add3A_519, %xor3A_513 : vector<16xi1>, vector<16xi32>
        %reshape3A_521 = vector.shape_cast %select_n3A_520 : vector<16xi32> to vector<16x1xi32>
        %gather3A_522 = vector.shape_cast %reshape3A_521 : vector<16x1xi32> to vector<16xi32>
        %gather3A_523 = tpu.dynamic_gather %max3A_510[%gather3A_522] in [0] : vector<16xf32>, vector<16xi32> -> vector<16xf32>
        %max3A_524 = arith.maximumf %max3A_510, %gather3A_523 : vector<16xf32>
        %xor3A_525 = arith.constant 2 : i32
        %xor3A_526 = vector.broadcast %xor3A_525 : i32 to vector<16xi32>
        %xor3A_527 = arith.xori %iota3A, %xor3A_526 : vector<16xi32>
        %lt3A_528 = arith.constant 0 : i32
        %lt3A_529 = vector.broadcast %lt3A_528 : i32 to vector<16xi32>
        %lt3A_530 = arith.cmpi slt, %xor3A_527, %lt3A_529 : vector<16xi32>
        %add3A_531 = arith.constant 16 : i32
        %add3A_532 = vector.broadcast %add3A_531 : i32 to vector<16xi32>
        %add3A_533 = arith.addi %xor3A_527, %add3A_532 : vector<16xi32>
        %select_n3A_534 = arith.select %lt3A_530, %add3A_533, %xor3A_527 : vector<16xi1>, vector<16xi32>
        %reshape3A_535 = vector.shape_cast %select_n3A_534 : vector<16xi32> to vector<16x1xi32>
        %gather3A_536 = vector.shape_cast %reshape3A_535 : vector<16x1xi32> to vector<16xi32>
        %gather3A_537 = tpu.dynamic_gather %max3A_524[%gather3A_536] in [0] : vector<16xf32>, vector<16xi32> -> vector<16xf32>
        %max3A_538 = arith.maximumf %max3A_524, %gather3A_537 : vector<16xf32>
        %xor3A_539 = arith.constant 1 : i32
        %xor3A_540 = vector.broadcast %xor3A_539 : i32 to vector<16xi32>
        %xor3A_541 = arith.xori %iota3A, %xor3A_540 : vector<16xi32>
        %lt3A_542 = arith.constant 0 : i32
        %lt3A_543 = vector.broadcast %lt3A_542 : i32 to vector<16xi32>
        %lt3A_544 = arith.cmpi slt, %xor3A_541, %lt3A_543 : vector<16xi32>
        %add3A_545 = arith.constant 16 : i32
        %add3A_546 = vector.broadcast %add3A_545 : i32 to vector<16xi32>
        %add3A_547 = arith.addi %xor3A_541, %add3A_546 : vector<16xi32>
        %select_n3A_548 = arith.select %lt3A_544, %add3A_547, %xor3A_541 : vector<16xi1>, vector<16xi32>
        %reshape3A_549 = vector.shape_cast %select_n3A_548 : vector<16xi32> to vector<16x1xi32>
        %gather3A_550 = vector.shape_cast %reshape3A_549 : vector<16x1xi32> to vector<16xi32>
        %gather3A_551 = tpu.dynamic_gather %max3A_538[%gather3A_550] in [0] : vector<16xf32>, vector<16xi32> -> vector<16xf32>
        %max3A_552 = arith.maximumf %max3A_538, %gather3A_551 : vector<16xf32>
        tpu.vector_store_idx %arg6[%broadcast_in_dim3A_495], %max3A_552 masked %eq3A_4 : memref<64xf32, #tpu.memory_space<vmem>>[vector<16xi32>], vector<16xf32>, vector<16xi1>
        %scan3A_553 = arith.constant 0 : i32
        %scan3A_554 = arith.constant 3 : i32
        %scan3A_555 = arith.addi %scan3A_29, %scan3A_554 : i32
        %mul3A_556 = arith.constant 32 : i32
        %mul3A_557 = arith.muli %scan3A_555, %mul3A_556 : i32
        %add3A_558 = arith.constant 0 : i32
        %add3A_559 = arith.addi %mul3A_557, %add3A_558 : i32
        %add3A_560 = vector.broadcast %add3A_559 : i32 to vector<16xi32>
        %add3A_561 = arith.addi %add3A_560, %iota3A : vector<16xi32>
        %get3A_562 = arith.index_cast %add3A_559 : i32 to index
        %get3A_563 = tpu.vector_load %arg4[%get3A_562] {strides = array<i32>} : memref<2048xf32, #tpu.memory_space<vmem>>, vector<16xf32>,
        %sub3A_564 = arith.constant 1 : i32
        %sub3A_565 = vector.broadcast %sub3A_564 : i32 to vector<16xi32>
        %sub3A_566 = arith.subi %add3A_561, %sub3A_565 : vector<16xi32>
        %max3A_567 = arith.constant 0 : i32
        %max3A_568 = vector.broadcast %max3A_567 : i32 to vector<16xi32>
        %max3A_569 = arith.maxsi %sub3A_566, %max3A_568 : vector<16xi32>
        %gather3A_570 = tpu.vector_load_idx %arg4[%max3A_569] : memref<2048xf32, #tpu.memory_space<vmem>>[vector<16xi32>], vector<16xf32>,
        %add3A_571 = arith.constant 1 : i32
        %add3A_572 = vector.broadcast %add3A_571 : i32 to vector<16xi32>
        %add3A_573 = arith.addi %add3A_561, %add3A_572 : vector<16xi32>
        %min3A_574 = arith.constant 2047 : i32
        %min3A_575 = vector.broadcast %min3A_574 : i32 to vector<16xi32>
        %min3A_576 = arith.minsi %add3A_573, %min3A_575 : vector<16xi32>
        %gather3A_577 = tpu.vector_load_idx %arg4[%min3A_576] : memref<2048xf32, #tpu.memory_space<vmem>>[vector<16xi32>], vector<16xf32>,
        %lt3A_578 = arith.constant 2047 : i32
        %lt3A_579 = vector.broadcast %lt3A_578 : i32 to vector<16xi32>
        %lt3A_580 = arith.cmpi slt, %add3A_561, %lt3A_579 : vector<16xi32>
        %sub3A_581 = arith.subf %gather3A_577, %get3A_563 : vector<16xf32>
        %gt3A_582 = arith.constant 0.000000e+00 : f32
        %gt3A_583 = vector.broadcast %gt3A_582 : f32 to vector<16xf32>
        %gt3A_584 = arith.cmpf ogt, %sub3A_581, %gt3A_583 : vector<16xf32>
        %and3A_585 = arith.andi %lt3A_580, %gt3A_584 : vector<16xi1>
        %eq3A_586 = arith.constant 0 : i32
        %eq3A_587 = vector.broadcast %eq3A_586 : i32 to vector<16xi32>
        %eq3A_588 = arith.cmpi eq, %add3A_561, %eq3A_587 : vector<16xi32>
        %sub3A_589 = arith.subf %get3A_563, %gather3A_570 : vector<16xf32>
        %le3A_590 = arith.constant 0.000000e+00 : f32
        %le3A_591 = vector.broadcast %le3A_590 : f32 to vector<16xf32>
        %le3A_592 = arith.cmpf ole, %sub3A_589, %le3A_591 : vector<16xf32>
        %or3A_593 = arith.ori %eq3A_588, %le3A_592 : vector<16xi1>
        %le3A_594 = arith.constant 0.000000e+00 : f32
        %le3A_595 = vector.broadcast %le3A_594 : f32 to vector<16xf32>
        %le3A_596 = arith.cmpf ole, %get3A_563, %le3A_595 : vector<16xf32>
        %and3A_597 = arith.andi %and3A_585, %or3A_593 : vector<16xi1>
        %and3A_598 = arith.andi %and3A_597, %le3A_596 : vector<16xi1>
        %not3A_599 = arith.constant dense<true> : vector<16xi1>
        %not3A_600 = arith.xori %and3A_585, %not3A_599 : vector<16xi1>
        %not3A_601 = arith.constant dense<true> : vector<16xi1>
        %not3A_602 = arith.xori %or3A_593, %not3A_601 : vector<16xi1>
        %and3A_603 = arith.andi %not3A_600, %not3A_602 : vector<16xi1>
        %not3A_604 = arith.constant dense<true> : vector<16xi1>
        %not3A_605 = arith.xori %le3A_596, %not3A_604 : vector<16xi1>
        %and3A_606 = arith.andi %and3A_603, %not3A_605 : vector<16xi1>
        %or3A_607 = arith.ori %and3A_598, %and3A_606 : vector<16xi1>
        %abs3A_608 = math.absf %get3A_563 : vector<16xf32>
        %select_n3A_609 = arith.select %or3A_607, %abs3A_608, %broadcast_in_dim3A_5 : vector<16xi1>, vector<16xf32>
        %swap3A_610 = arith.index_cast %add3A_559 : i32 to index
        %swap3A_611 = tpu.vector_load %arg5[%swap3A_610] {strides = array<i32>} : memref<2048xf32, #tpu.memory_space<vmem>>, vector<16xf32>,
        tpu.vector_store %arg5[%swap3A_610], %select_n3A_609 {strides = array<i32>} : memref<2048xf32, #tpu.memory_space<vmem>>, vector<16xf32>,
        %broadcast_in_dim3A_612 = arith.constant 0.000000e+00 : f32
        %broadcast_in_dim3A_613 = vector.broadcast %broadcast_in_dim3A_612 : f32 to vector<16xf32>
        %swap3A_614 = arith.index_cast %add3A_559 : i32 to index
        %swap3A_615 = tpu.vector_load %arg7[%swap3A_614] {strides = array<i32>} : memref<2048xf32, #tpu.memory_space<vmem>>, vector<16xf32>,
        tpu.vector_store %arg7[%swap3A_614], %broadcast_in_dim3A_613 {strides = array<i32>} : memref<2048xf32, #tpu.memory_space<vmem>>, vector<16xf32>,
        %add3A_616 = arith.constant 16 : i32
        %add3A_617 = arith.addi %mul3A_557, %add3A_616 : i32
        %add3A_618 = vector.broadcast %add3A_617 : i32 to vector<16xi32>
        %add3A_619 = arith.addi %add3A_618, %iota3A : vector<16xi32>
        %get3A_620 = arith.index_cast %add3A_617 : i32 to index
        %get3A_621 = tpu.vector_load %arg4[%get3A_620] {strides = array<i32>} : memref<2048xf32, #tpu.memory_space<vmem>>, vector<16xf32>,
        %sub3A_622 = arith.constant 1 : i32
        %sub3A_623 = vector.broadcast %sub3A_622 : i32 to vector<16xi32>
        %sub3A_624 = arith.subi %add3A_619, %sub3A_623 : vector<16xi32>
        %max3A_625 = arith.constant 0 : i32
        %max3A_626 = vector.broadcast %max3A_625 : i32 to vector<16xi32>
        %max3A_627 = arith.maxsi %sub3A_624, %max3A_626 : vector<16xi32>
        %gather3A_628 = tpu.vector_load_idx %arg4[%max3A_627] : memref<2048xf32, #tpu.memory_space<vmem>>[vector<16xi32>], vector<16xf32>,
        %add3A_629 = arith.constant 1 : i32
        %add3A_630 = vector.broadcast %add3A_629 : i32 to vector<16xi32>
        %add3A_631 = arith.addi %add3A_619, %add3A_630 : vector<16xi32>
        %min3A_632 = arith.constant 2047 : i32
        %min3A_633 = vector.broadcast %min3A_632 : i32 to vector<16xi32>
        %min3A_634 = arith.minsi %add3A_631, %min3A_633 : vector<16xi32>
        %gather3A_635 = tpu.vector_load_idx %arg4[%min3A_634] : memref<2048xf32, #tpu.memory_space<vmem>>[vector<16xi32>], vector<16xf32>,
        %lt3A_636 = arith.constant 2047 : i32
        %lt3A_637 = vector.broadcast %lt3A_636 : i32 to vector<16xi32>
        %lt3A_638 = arith.cmpi slt, %add3A_619, %lt3A_637 : vector<16xi32>
        %sub3A_639 = arith.subf %gather3A_635, %get3A_621 : vector<16xf32>
        %gt3A_640 = arith.constant 0.000000e+00 : f32
        %gt3A_641 = vector.broadcast %gt3A_640 : f32 to vector<16xf32>
        %gt3A_642 = arith.cmpf ogt, %sub3A_639, %gt3A_641 : vector<16xf32>
        %and3A_643 = arith.andi %lt3A_638, %gt3A_642 : vector<16xi1>
        %eq3A_644 = arith.constant 0 : i32
        %eq3A_645 = vector.broadcast %eq3A_644 : i32 to vector<16xi32>
        %eq3A_646 = arith.cmpi eq, %add3A_619, %eq3A_645 : vector<16xi32>
        %sub3A_647 = arith.subf %get3A_621, %gather3A_628 : vector<16xf32>
        %le3A_648 = arith.constant 0.000000e+00 : f32
        %le3A_649 = vector.broadcast %le3A_648 : f32 to vector<16xf32>
        %le3A_650 = arith.cmpf ole, %sub3A_647, %le3A_649 : vector<16xf32>
        %or3A_651 = arith.ori %eq3A_646, %le3A_650 : vector<16xi1>
        %le3A_652 = arith.constant 0.000000e+00 : f32
        %le3A_653 = vector.broadcast %le3A_652 : f32 to vector<16xf32>
        %le3A_654 = arith.cmpf ole, %get3A_621, %le3A_653 : vector<16xf32>
        %and3A_655 = arith.andi %and3A_643, %or3A_651 : vector<16xi1>
        %and3A_656 = arith.andi %and3A_655, %le3A_654 : vector<16xi1>
        %not3A_657 = arith.constant dense<true> : vector<16xi1>
        %not3A_658 = arith.xori %and3A_643, %not3A_657 : vector<16xi1>
        %not3A_659 = arith.constant dense<true> : vector<16xi1>
        %not3A_660 = arith.xori %or3A_651, %not3A_659 : vector<16xi1>
        %and3A_661 = arith.andi %not3A_658, %not3A_660 : vector<16xi1>
        %not3A_662 = arith.constant dense<true> : vector<16xi1>
        %not3A_663 = arith.xori %le3A_654, %not3A_662 : vector<16xi1>
        %and3A_664 = arith.andi %and3A_661, %not3A_663 : vector<16xi1>
        %or3A_665 = arith.ori %and3A_656, %and3A_664 : vector<16xi1>
        %abs3A_666 = math.absf %get3A_621 : vector<16xf32>
        %select_n3A_667 = arith.select %or3A_665, %abs3A_666, %broadcast_in_dim3A_5 : vector<16xi1>, vector<16xf32>
        %swap3A_668 = arith.index_cast %add3A_617 : i32 to index
        %swap3A_669 = tpu.vector_load %arg5[%swap3A_668] {strides = array<i32>} : memref<2048xf32, #tpu.memory_space<vmem>>, vector<16xf32>,
        tpu.vector_store %arg5[%swap3A_668], %select_n3A_667 {strides = array<i32>} : memref<2048xf32, #tpu.memory_space<vmem>>, vector<16xf32>,
        %broadcast_in_dim3A_670 = arith.constant 0.000000e+00 : f32
        %broadcast_in_dim3A_671 = vector.broadcast %broadcast_in_dim3A_670 : f32 to vector<16xf32>
        %swap3A_672 = arith.index_cast %add3A_617 : i32 to index
        %swap3A_673 = tpu.vector_load %arg7[%swap3A_672] {strides = array<i32>} : memref<2048xf32, #tpu.memory_space<vmem>>, vector<16xf32>,
        tpu.vector_store %arg7[%swap3A_672], %broadcast_in_dim3A_671 {strides = array<i32>} : memref<2048xf32, #tpu.memory_space<vmem>>, vector<16xf32>,
        %broadcast_in_dim3A_674 = vector.broadcast %scan3A_555 : i32 to vector<16xi32>
        %max3A_675 = arith.maximumf %select_n3A_609, %select_n3A_667 : vector<16xf32>
        %xor3A_676 = arith.constant 8 : i32
        %xor3A_677 = vector.broadcast %xor3A_676 : i32 to vector<16xi32>
        %xor3A_678 = arith.xori %iota3A, %xor3A_677 : vector<16xi32>
        %lt3A_679 = arith.constant 0 : i32
        %lt3A_680 = vector.broadcast %lt3A_679 : i32 to vector<16xi32>
        %lt3A_681 = arith.cmpi slt, %xor3A_678, %lt3A_680 : vector<16xi32>
        %add3A_682 = arith.constant 16 : i32
        %add3A_683 = vector.broadcast %add3A_682 : i32 to vector<16xi32>
        %add3A_684 = arith.addi %xor3A_678, %add3A_683 : vector<16xi32>
        %select_n3A_685 = arith.select %lt3A_681, %add3A_684, %xor3A_678 : vector<16xi1>, vector<16xi32>
        %reshape3A_686 = vector.shape_cast %select_n3A_685 : vector<16xi32> to vector<16x1xi32>
        %gather3A_687 = vector.shape_cast %reshape3A_686 : vector<16x1xi32> to vector<16xi32>
        %gather3A_688 = tpu.dynamic_gather %max3A_675[%gather3A_687] in [0] : vector<16xf32>, vector<16xi32> -> vector<16xf32>
        %max3A_689 = arith.maximumf %max3A_675, %gather3A_688 : vector<16xf32>
        %xor3A_690 = arith.constant 4 : i32
        %xor3A_691 = vector.broadcast %xor3A_690 : i32 to vector<16xi32>
        %xor3A_692 = arith.xori %iota3A, %xor3A_691 : vector<16xi32>
        %lt3A_693 = arith.constant 0 : i32
        %lt3A_694 = vector.broadcast %lt3A_693 : i32 to vector<16xi32>
        %lt3A_695 = arith.cmpi slt, %xor3A_692, %lt3A_694 : vector<16xi32>
        %add3A_696 = arith.constant 16 : i32
        %add3A_697 = vector.broadcast %add3A_696 : i32 to vector<16xi32>
        %add3A_698 = arith.addi %xor3A_692, %add3A_697 : vector<16xi32>
        %select_n3A_699 = arith.select %lt3A_695, %add3A_698, %xor3A_692 : vector<16xi1>, vector<16xi32>
        %reshape3A_700 = vector.shape_cast %select_n3A_699 : vector<16xi32> to vector<16x1xi32>
        %gather3A_701 = vector.shape_cast %reshape3A_700 : vector<16x1xi32> to vector<16xi32>
        %gather3A_702 = tpu.dynamic_gather %max3A_689[%gather3A_701] in [0] : vector<16xf32>, vector<16xi32> -> vector<16xf32>
        %max3A_703 = arith.maximumf %max3A_689, %gather3A_702 : vector<16xf32>
        %xor3A_704 = arith.constant 2 : i32
        %xor3A_705 = vector.broadcast %xor3A_704 : i32 to vector<16xi32>
        %xor3A_706 = arith.xori %iota3A, %xor3A_705 : vector<16xi32>
        %lt3A_707 = arith.constant 0 : i32
        %lt3A_708 = vector.broadcast %lt3A_707 : i32 to vector<16xi32>
        %lt3A_709 = arith.cmpi slt, %xor3A_706, %lt3A_708 : vector<16xi32>
        %add3A_710 = arith.constant 16 : i32
        %add3A_711 = vector.broadcast %add3A_710 : i32 to vector<16xi32>
        %add3A_712 = arith.addi %xor3A_706, %add3A_711 : vector<16xi32>
        %select_n3A_713 = arith.select %lt3A_709, %add3A_712, %xor3A_706 : vector<16xi1>, vector<16xi32>
        %reshape3A_714 = vector.shape_cast %select_n3A_713 : vector<16xi32> to vector<16x1xi32>
        %gather3A_715 = vector.shape_cast %reshape3A_714 : vector<16x1xi32> to vector<16xi32>
        %gather3A_716 = tpu.dynamic_gather %max3A_703[%gather3A_715] in [0] : vector<16xf32>, vector<16xi32> -> vector<16xf32>
        %max3A_717 = arith.maximumf %max3A_703, %gather3A_716 : vector<16xf32>
        %xor3A_718 = arith.constant 1 : i32
        %xor3A_719 = vector.broadcast %xor3A_718 : i32 to vector<16xi32>
        %xor3A_720 = arith.xori %iota3A, %xor3A_719 : vector<16xi32>
        %lt3A_721 = arith.constant 0 : i32
        %lt3A_722 = vector.broadcast %lt3A_721 : i32 to vector<16xi32>
        %lt3A_723 = arith.cmpi slt, %xor3A_720, %lt3A_722 : vector<16xi32>
        %add3A_724 = arith.constant 16 : i32
        %add3A_725 = vector.broadcast %add3A_724 : i32 to vector<16xi32>
        %add3A_726 = arith.addi %xor3A_720, %add3A_725 : vector<16xi32>
        %select_n3A_727 = arith.select %lt3A_723, %add3A_726, %xor3A_720 : vector<16xi1>, vector<16xi32>
        %reshape3A_728 = vector.shape_cast %select_n3A_727 : vector<16xi32> to vector<16x1xi32>
        %gather3A_729 = vector.shape_cast %reshape3A_728 : vector<16x1xi32> to vector<16xi32>
        %gather3A_730 = tpu.dynamic_gather %max3A_717[%gather3A_729] in [0] : vector<16xf32>, vector<16xi32> -> vector<16xf32>
        %max3A_731 = arith.maximumf %max3A_717, %gather3A_730 : vector<16xf32>
        tpu.vector_store_idx %arg6[%broadcast_in_dim3A_674], %max3A_731 masked %eq3A_4 : memref<64xf32, #tpu.memory_space<vmem>>[vector<16xi32>], vector<16xf32>, vector<16xi1>
        %scan3A_732 = arith.constant 0 : i32
        scf.yield %scan3A_732 : i32
      }
      %scan3A_13 = arith.constant 64 : i32
      %get3A = arith.constant 0 : index
      %get3A_14 = tpu.vector_load %arg6[%get3A] {strides = array<i32>} : memref<64xf32, #tpu.memory_space<vmem>>, vector<16xf32>,
      %get3A_15 = arith.constant 16 : index
      %get3A_16 = tpu.vector_load %arg6[%get3A_15] {strides = array<i32>} : memref<64xf32, #tpu.memory_space<vmem>>, vector<16xf32>,
      %get3A_17 = arith.constant 32 : index
      %get3A_18 = tpu.vector_load %arg6[%get3A_17] {strides = array<i32>} : memref<64xf32, #tpu.memory_space<vmem>>, vector<16xf32>,
      %get3A_19 = arith.constant 48 : index
      %get3A_20 = tpu.vector_load %arg6[%get3A_19] {strides = array<i32>} : memref<64xf32, #tpu.memory_space<vmem>>, vector<16xf32>,
      %max3A = arith.maximumf %get3A_14, %get3A_16 : vector<16xf32>
      %max3A_21 = arith.maximumf %get3A_18, %get3A_20 : vector<16xf32>
      %max3A_22 = arith.maximumf %max3A, %max3A_21 : vector<16xf32>
      %reduce_max3A = arith.constant true
      %reduce_max3A_23 = vector.broadcast %reduce_max3A : i1 to vector<16xi1>
      %reduce_max3A_24 = tpu.scan <max>, %max3A_22 masked %reduce_max3A_23 : vector<16xf32>, vector<16xi1> -> vector<16xf32>
      %reduce_max3A_25 = vector.extract %reduce_max3A_24[15] : f32 from vector<16xf32>
      %broadcast_in_dim3A_26 = vector.broadcast %reduce_max3A_25 : f32 to vector<16xf32>
      %gt3A = arith.constant 0xFF800000 : f32
      %gt3A_27 = arith.cmpf ogt, %reduce_max3A_25, %gt3A : f32
      %while3A = arith.constant 0 : i32
      %while3A_28:7 = scf.while (%while3A_29 = %while3A, %while3A_30 = %get3A_14, %while3A_31 = %get3A_16, %while3A_32 = %get3A_18, %while3A_33 = %get3A_20, %while3A_34 = %broadcast_in_dim3A_26, %while3A_35 = %gt3A_27) : (i32, vector<16xf32>, vector<16xf32>, vector<16xf32>, vector<16xf32>, vector<16xf32>, i1) -> (i32, vector<16xf32>, vector<16xf32>, vector<16xf32>, vector<16xf32>, vector<16xf32>, i1) {
        %lt3A_36 = arith.constant 187 : i32
        %lt3A_37 = arith.cmpi slt, %while3A_29, %lt3A_36 : i32
        %and3A = arith.andi %lt3A_37, %while3A_35 : i1
        scf.condition(%and3A) %while3A_29, %while3A_30, %while3A_31, %while3A_32, %while3A_33, %while3A_34, %while3A_35 : i32, vector<16xf32>, vector<16xf32>, vector<16xf32>, vector<16xf32>, vector<16xf32>, i1
      } do {
      ^bb0(%while3A_29: i32, %while3A_30: vector<16xf32>, %while3A_31: vector<16xf32>, %while3A_32: vector<16xf32>, %while3A_33: vector<16xf32>, %while3A_34: vector<16xf32>, %while3A_35: i1):
        %eq3A_36 = arith.cmpf oeq, %while3A_30, %while3A_34 : vector<16xf32>
        %all_reduce_ffs3A = tpu.all_reduce %eq3A_36 {dim = 0 : i64, kind = #tpu.reduction_kind<find_first_set>} : vector<16xi1> -> vector<16xi32>
        %ge3A = arith.constant 16 : i32
        %ge3A_37 = vector.broadcast %ge3A : i32 to vector<16xi32>
        %ge3A_38 = arith.cmpi sge, %all_reduce_ffs3A, %ge3A_37 : vector<16xi32>
        %add3A_39 = arith.constant 0 : i32
        %add3A_40 = vector.broadcast %add3A_39 : i32 to vector<16xi32>
        %add3A_41 = arith.addi %add3A_40, %all_reduce_ffs3A : vector<16xi32>
        %select_n3A = arith.select %ge3A_38, %broadcast_in_dim3A_7, %add3A_41 : vector<16xi1>, vector<16xi32>
        %eq3A_42 = arith.cmpf oeq, %while3A_31, %while3A_34 : vector<16xf32>
        %all_reduce_ffs3A_43 = tpu.all_reduce %eq3A_42 {dim = 0 : i64, kind = #tpu.reduction_kind<find_first_set>} : vector<16xi1> -> vector<16xi32>
        %ge3A_44 = arith.constant 16 : i32
        %ge3A_45 = vector.broadcast %ge3A_44 : i32 to vector<16xi32>
        %ge3A_46 = arith.cmpi sge, %all_reduce_ffs3A_43, %ge3A_45 : vector<16xi32>
        %add3A_47 = arith.constant 16 : i32
        %add3A_48 = vector.broadcast %add3A_47 : i32 to vector<16xi32>
        %add3A_49 = arith.addi %add3A_48, %all_reduce_ffs3A_43 : vector<16xi32>
        %select_n3A_50 = arith.select %ge3A_46, %broadcast_in_dim3A_7, %add3A_49 : vector<16xi1>, vector<16xi32>
        %eq3A_51 = arith.cmpf oeq, %while3A_32, %while3A_34 : vector<16xf32>
        %all_reduce_ffs3A_52 = tpu.all_reduce %eq3A_51 {dim = 0 : i64, kind = #tpu.reduction_kind<find_first_set>} : vector<16xi1> -> vector<16xi32>
        %ge3A_53 = arith.constant 16 : i32
        %ge3A_54 = vector.broadcast %ge3A_53 : i32 to vector<16xi32>
        %ge3A_55 = arith.cmpi sge, %all_reduce_ffs3A_52, %ge3A_54 : vector<16xi32>
        %add3A_56 = arith.constant 32 : i32
        %add3A_57 = vector.broadcast %add3A_56 : i32 to vector<16xi32>
        %add3A_58 = arith.addi %add3A_57, %all_reduce_ffs3A_52 : vector<16xi32>
        %select_n3A_59 = arith.select %ge3A_55, %broadcast_in_dim3A_7, %add3A_58 : vector<16xi1>, vector<16xi32>
        %eq3A_60 = arith.cmpf oeq, %while3A_33, %while3A_34 : vector<16xf32>
        %all_reduce_ffs3A_61 = tpu.all_reduce %eq3A_60 {dim = 0 : i64, kind = #tpu.reduction_kind<find_first_set>} : vector<16xi1> -> vector<16xi32>
        %ge3A_62 = arith.constant 16 : i32
        %ge3A_63 = vector.broadcast %ge3A_62 : i32 to vector<16xi32>
        %ge3A_64 = arith.cmpi sge, %all_reduce_ffs3A_61, %ge3A_63 : vector<16xi32>
        %add3A_65 = arith.constant 48 : i32
        %add3A_66 = vector.broadcast %add3A_65 : i32 to vector<16xi32>
        %add3A_67 = arith.addi %add3A_66, %all_reduce_ffs3A_61 : vector<16xi32>
        %select_n3A_68 = arith.select %ge3A_64, %broadcast_in_dim3A_7, %add3A_67 : vector<16xi1>, vector<16xi32>
        %min3A = arith.minsi %select_n3A, %select_n3A_50 : vector<16xi32>
        %min3A_69 = arith.minsi %select_n3A_59, %select_n3A_68 : vector<16xi32>
        %min3A_70 = arith.minsi %min3A, %min3A_69 : vector<16xi32>
        %mul3A_71 = arith.constant 32 : i32
        %mul3A_72 = vector.broadcast %mul3A_71 : i32 to vector<16xi32>
        %mul3A_73 = arith.muli %min3A_70, %mul3A_72 : vector<16xi32>
        %add3A_74 = arith.addi %mul3A_73, %iota3A : vector<16xi32>
        %gather3A = tpu.vector_load_idx %arg5[%add3A_74] : memref<2048xf32, #tpu.memory_space<vmem>>[vector<16xi32>], vector<16xf32>,
        %mul3A_75 = arith.constant 32 : i32
        %mul3A_76 = vector.broadcast %mul3A_75 : i32 to vector<16xi32>
        %mul3A_77 = arith.muli %min3A_70, %mul3A_76 : vector<16xi32>
        %add3A_78 = arith.constant 16 : i32
        %add3A_79 = vector.broadcast %add3A_78 : i32 to vector<16xi32>
        %add3A_80 = arith.addi %mul3A_77, %add3A_79 : vector<16xi32>
        %add3A_81 = arith.addi %add3A_80, %iota3A : vector<16xi32>
        %gather3A_82 = tpu.vector_load_idx %arg5[%add3A_81] : memref<2048xf32, #tpu.memory_space<vmem>>[vector<16xi32>], vector<16xf32>,
        %eq3A_83 = arith.cmpf oeq, %gather3A, %while3A_34 : vector<16xf32>
        %all_reduce_ffs3A_84 = tpu.all_reduce %eq3A_83 {dim = 0 : i64, kind = #tpu.reduction_kind<find_first_set>} : vector<16xi1> -> vector<16xi32>
        %eq3A_85 = arith.cmpf oeq, %gather3A_82, %while3A_34 : vector<16xf32>
        %all_reduce_ffs3A_86 = tpu.all_reduce %eq3A_85 {dim = 0 : i64, kind = #tpu.reduction_kind<find_first_set>} : vector<16xi1> -> vector<16xi32>
        %mul3A_87 = arith.constant 32 : i32
        %mul3A_88 = vector.broadcast %mul3A_87 : i32 to vector<16xi32>
        %mul3A_89 = arith.muli %min3A_70, %mul3A_88 : vector<16xi32>
        %lt3A_90 = arith.constant 16 : i32
        %lt3A_91 = vector.broadcast %lt3A_90 : i32 to vector<16xi32>
        %lt3A_92 = arith.cmpi slt, %all_reduce_ffs3A_84, %lt3A_91 : vector<16xi32>
        %add3A_93 = arith.constant 16 : i32
        %add3A_94 = vector.broadcast %add3A_93 : i32 to vector<16xi32>
        %add3A_95 = arith.addi %add3A_94, %all_reduce_ffs3A_86 : vector<16xi32>
        %select_n3A_96 = arith.select %lt3A_92, %all_reduce_ffs3A_84, %add3A_95 : vector<16xi1>, vector<16xi32>
        %add3A_97 = arith.addi %mul3A_89, %select_n3A_96 : vector<16xi32>
        %gather3A_98 = tpu.vector_load_idx %arg4[%add3A_97] : memref<2048xf32, #tpu.memory_space<vmem>>[vector<16xi32>], vector<16xf32>,
        tpu.vector_store_idx %arg7[%add3A_97], %gather3A_98 masked %eq3A_4 : memref<2048xf32, #tpu.memory_space<vmem>>[vector<16xi32>], vector<16xf32>, vector<16xi1>
        %sub3A = arith.constant 10 : i32
        %sub3A_99 = vector.broadcast %sub3A : i32 to vector<16xi32>
        %sub3A_100 = arith.subi %add3A_97, %sub3A_99 : vector<16xi32>
        %max3A_101 = arith.constant 0 : i32
        %max3A_102 = vector.broadcast %max3A_101 : i32 to vector<16xi32>
        %max3A_103 = arith.maxsi %sub3A_100, %max3A_102 : vector<16xi32>
        %add3A_104 = arith.constant 10 : i32
        %add3A_105 = vector.broadcast %add3A_104 : i32 to vector<16xi32>
        %add3A_106 = arith.addi %add3A_97, %add3A_105 : vector<16xi32>
        %min3A_107 = arith.constant 2047 : i32
        %min3A_108 = vector.broadcast %min3A_107 : i32 to vector<16xi32>
        %min3A_109 = arith.minsi %add3A_106, %min3A_108 : vector<16xi32>
        %jit3A = arith.constant 32 : i32
        %div3A = vector.broadcast %jit3A : i32 to vector<16xi32>
        %div3A_110 = arith.divsi %max3A_103, %div3A : vector<16xi32>
        %sign3A = arith.constant 0 : i32
        %sign3A_111 = vector.broadcast %sign3A : i32 to vector<16xi32>
        %sign3A_112 = arith.cmpi sgt, %max3A_103, %sign3A_111 : vector<16xi32>
        %sign3A_113 = arith.extui %sign3A_112 : vector<16xi1> to vector<16xi32>
        %sign3A_114 = arith.constant 0 : i32
        %sign3A_115 = vector.broadcast %sign3A_114 : i32 to vector<16xi32>
        %sign3A_116 = arith.cmpi slt, %max3A_103, %sign3A_115 : vector<16xi32>
        %sign3A_117 = arith.extui %sign3A_116 : vector<16xi1> to vector<16xi32>
        %sign3A_118 = arith.subi %sign3A_113, %sign3A_117 : vector<16xi32>
        %sign3A_119 = arith.constant 0 : i32
        %sign3A_120 = arith.cmpi sgt, %jit3A, %sign3A_119 : i32
        %sign3A_121 = arith.extui %sign3A_120 : i1 to i32
        %sign3A_122 = arith.constant 0 : i32
        %sign3A_123 = arith.cmpi slt, %jit3A, %sign3A_122 : i32
        %sign3A_124 = arith.extui %sign3A_123 : i1 to i32
        %sign3A_125 = arith.subi %sign3A_121, %sign3A_124 : i32
        %ne3A = vector.broadcast %sign3A_125 : i32 to vector<16xi32>
        %ne3A_126 = arith.cmpi ne, %sign3A_118, %ne3A : vector<16xi32>
        %rem3A = vector.broadcast %jit3A : i32 to vector<16xi32>
        %rem3A_127 = arith.remsi %max3A_103, %rem3A : vector<16xi32>
        %ne3A_128 = arith.constant 0 : i32
        %ne3A_129 = vector.broadcast %ne3A_128 : i32 to vector<16xi32>
        %ne3A_130 = arith.cmpi ne, %rem3A_127, %ne3A_129 : vector<16xi32>
        %and3A = arith.andi %ne3A_126, %ne3A_130 : vector<16xi1>
        %sub3A_131 = arith.constant 1 : i32
        %sub3A_132 = vector.broadcast %sub3A_131 : i32 to vector<16xi32>
        %sub3A_133 = arith.subi %div3A_110, %sub3A_132 : vector<16xi32>
        %select_n3A_134 = arith.select %and3A, %sub3A_133, %div3A_110 : vector<16xi1>, vector<16xi32>
        %jit3A_135 = arith.constant 32 : i32
        %div3A_136 = vector.broadcast %jit3A_135 : i32 to vector<16xi32>
        %div3A_137 = arith.divsi %min3A_109, %div3A_136 : vector<16xi32>
        %sign3A_138 = arith.constant 0 : i32
        %sign3A_139 = vector.broadcast %sign3A_138 : i32 to vector<16xi32>
        %sign3A_140 = arith.cmpi sgt, %min3A_109, %sign3A_139 : vector<16xi32>
        %sign3A_141 = arith.extui %sign3A_140 : vector<16xi1> to vector<16xi32>
        %sign3A_142 = arith.constant 0 : i32
        %sign3A_143 = vector.broadcast %sign3A_142 : i32 to vector<16xi32>
        %sign3A_144 = arith.cmpi slt, %min3A_109, %sign3A_143 : vector<16xi32>
        %sign3A_145 = arith.extui %sign3A_144 : vector<16xi1> to vector<16xi32>
        %sign3A_146 = arith.subi %sign3A_141, %sign3A_145 : vector<16xi32>
        %sign3A_147 = arith.constant 0 : i32
        %sign3A_148 = arith.cmpi sgt, %jit3A_135, %sign3A_147 : i32
        %sign3A_149 = arith.extui %sign3A_148 : i1 to i32
        %sign3A_150 = arith.constant 0 : i32
        %sign3A_151 = arith.cmpi slt, %jit3A_135, %sign3A_150 : i32
        %sign3A_152 = arith.extui %sign3A_151 : i1 to i32
        %sign3A_153 = arith.subi %sign3A_149, %sign3A_152 : i32
        %ne3A_154 = vector.broadcast %sign3A_153 : i32 to vector<16xi32>
        %ne3A_155 = arith.cmpi ne, %sign3A_146, %ne3A_154 : vector<16xi32>
        %rem3A_156 = vector.broadcast %jit3A_135 : i32 to vector<16xi32>
        %rem3A_157 = arith.remsi %min3A_109, %rem3A_156 : vector<16xi32>
        %ne3A_158 = arith.constant 0 : i32
        %ne3A_159 = vector.broadcast %ne3A_158 : i32 to vector<16xi32>
        %ne3A_160 = arith.cmpi ne, %rem3A_157, %ne3A_159 : vector<16xi32>
        %and3A_161 = arith.andi %ne3A_155, %ne3A_160 : vector<16xi1>
        %sub3A_162 = arith.constant 1 : i32
        %sub3A_163 = vector.broadcast %sub3A_162 : i32 to vector<16xi32>
        %sub3A_164 = arith.subi %div3A_137, %sub3A_163 : vector<16xi32>
        %select_n3A_165 = arith.select %and3A_161, %sub3A_164, %div3A_137 : vector<16xi1>, vector<16xi32>
        %add3A_166 = arith.addi %select_n3A_134, %select_n3A_165 : vector<16xi32>
        %sub3A_167 = arith.subi %add3A_166, %min3A_70 : vector<16xi32>
        %mul3A_168 = arith.constant 32 : i32
        %mul3A_169 = vector.broadcast %mul3A_168 : i32 to vector<16xi32>
        %mul3A_170 = arith.muli %min3A_70, %mul3A_169 : vector<16xi32>
        %add3A_171 = arith.addi %mul3A_170, %iota3A : vector<16xi32>
        %add3A_172 = arith.constant 16 : i32
        %add3A_173 = vector.broadcast %add3A_172 : i32 to vector<16xi32>
        %add3A_174 = arith.addi %add3A_171, %add3A_173 : vector<16xi32>
        %ge3A_175 = arith.cmpi sge, %add3A_171, %max3A_103 : vector<16xi32>
        %le3A = arith.cmpi sle, %add3A_171, %min3A_109 : vector<16xi32>
        %and3A_176 = arith.andi %ge3A_175, %le3A : vector<16xi1>
        %select_n3A_177 = arith.select %and3A_176, %broadcast_in_dim3A_5, %gather3A : vector<16xi1>, vector<16xf32>
        %ge3A_178 = arith.cmpi sge, %add3A_174, %max3A_103 : vector<16xi32>
        %le3A_179 = arith.cmpi sle, %add3A_174, %min3A_109 : vector<16xi32>
        %and3A_180 = arith.andi %ge3A_178, %le3A_179 : vector<16xi1>
        %select_n3A_181 = arith.select %and3A_180, %broadcast_in_dim3A_5, %gather3A_82 : vector<16xi1>, vector<16xf32>
        %max3A_182 = arith.maximumf %select_n3A_177, %select_n3A_181 : vector<16xf32>
        %xor3A = arith.constant 8 : i32
        %xor3A_183 = vector.broadcast %xor3A : i32 to vector<16xi32>
        %xor3A_184 = arith.xori %iota3A, %xor3A_183 : vector<16xi32>
        %lt3A_185 = arith.constant 0 : i32
        %lt3A_186 = vector.broadcast %lt3A_185 : i32 to vector<16xi32>
        %lt3A_187 = arith.cmpi slt, %xor3A_184, %lt3A_186 : vector<16xi32>
        %add3A_188 = arith.constant 16 : i32
        %add3A_189 = vector.broadcast %add3A_188 : i32 to vector<16xi32>
        %add3A_190 = arith.addi %xor3A_184, %add3A_189 : vector<16xi32>
        %select_n3A_191 = arith.select %lt3A_187, %add3A_190, %xor3A_184 : vector<16xi1>, vector<16xi32>
        %reshape3A = vector.shape_cast %select_n3A_191 : vector<16xi32> to vector<16x1xi32>
        %gather3A_192 = vector.shape_cast %reshape3A : vector<16x1xi32> to vector<16xi32>
        %gather3A_193 = tpu.dynamic_gather %max3A_182[%gather3A_192] in [0] : vector<16xf32>, vector<16xi32> -> vector<16xf32>
        %max3A_194 = arith.maximumf %max3A_182, %gather3A_193 : vector<16xf32>
        %xor3A_195 = arith.constant 4 : i32
        %xor3A_196 = vector.broadcast %xor3A_195 : i32 to vector<16xi32>
        %xor3A_197 = arith.xori %iota3A, %xor3A_196 : vector<16xi32>
        %lt3A_198 = arith.constant 0 : i32
        %lt3A_199 = vector.broadcast %lt3A_198 : i32 to vector<16xi32>
        %lt3A_200 = arith.cmpi slt, %xor3A_197, %lt3A_199 : vector<16xi32>
        %add3A_201 = arith.constant 16 : i32
        %add3A_202 = vector.broadcast %add3A_201 : i32 to vector<16xi32>
        %add3A_203 = arith.addi %xor3A_197, %add3A_202 : vector<16xi32>
        %select_n3A_204 = arith.select %lt3A_200, %add3A_203, %xor3A_197 : vector<16xi1>, vector<16xi32>
        %reshape3A_205 = vector.shape_cast %select_n3A_204 : vector<16xi32> to vector<16x1xi32>
        %gather3A_206 = vector.shape_cast %reshape3A_205 : vector<16x1xi32> to vector<16xi32>
        %gather3A_207 = tpu.dynamic_gather %max3A_194[%gather3A_206] in [0] : vector<16xf32>, vector<16xi32> -> vector<16xf32>
        %max3A_208 = arith.maximumf %max3A_194, %gather3A_207 : vector<16xf32>
        %xor3A_209 = arith.constant 2 : i32
        %xor3A_210 = vector.broadcast %xor3A_209 : i32 to vector<16xi32>
        %xor3A_211 = arith.xori %iota3A, %xor3A_210 : vector<16xi32>
        %lt3A_212 = arith.constant 0 : i32
        %lt3A_213 = vector.broadcast %lt3A_212 : i32 to vector<16xi32>
        %lt3A_214 = arith.cmpi slt, %xor3A_211, %lt3A_213 : vector<16xi32>
        %add3A_215 = arith.constant 16 : i32
        %add3A_216 = vector.broadcast %add3A_215 : i32 to vector<16xi32>
        %add3A_217 = arith.addi %xor3A_211, %add3A_216 : vector<16xi32>
        %select_n3A_218 = arith.select %lt3A_214, %add3A_217, %xor3A_211 : vector<16xi1>, vector<16xi32>
        %reshape3A_219 = vector.shape_cast %select_n3A_218 : vector<16xi32> to vector<16x1xi32>
        %gather3A_220 = vector.shape_cast %reshape3A_219 : vector<16x1xi32> to vector<16xi32>
        %gather3A_221 = tpu.dynamic_gather %max3A_208[%gather3A_220] in [0] : vector<16xf32>, vector<16xi32> -> vector<16xf32>
        %max3A_222 = arith.maximumf %max3A_208, %gather3A_221 : vector<16xf32>
        %xor3A_223 = arith.constant 1 : i32
        %xor3A_224 = vector.broadcast %xor3A_223 : i32 to vector<16xi32>
        %xor3A_225 = arith.xori %iota3A, %xor3A_224 : vector<16xi32>
        %lt3A_226 = arith.constant 0 : i32
        %lt3A_227 = vector.broadcast %lt3A_226 : i32 to vector<16xi32>
        %lt3A_228 = arith.cmpi slt, %xor3A_225, %lt3A_227 : vector<16xi32>
        %add3A_229 = arith.constant 16 : i32
        %add3A_230 = vector.broadcast %add3A_229 : i32 to vector<16xi32>
        %add3A_231 = arith.addi %xor3A_225, %add3A_230 : vector<16xi32>
        %select_n3A_232 = arith.select %lt3A_228, %add3A_231, %xor3A_225 : vector<16xi1>, vector<16xi32>
        %reshape3A_233 = vector.shape_cast %select_n3A_232 : vector<16xi32> to vector<16x1xi32>
        %gather3A_234 = vector.shape_cast %reshape3A_233 : vector<16x1xi32> to vector<16xi32>
        %gather3A_235 = tpu.dynamic_gather %max3A_222[%gather3A_234] in [0] : vector<16xf32>, vector<16xi32> -> vector<16xf32>
        %max3A_236 = arith.maximumf %max3A_222, %gather3A_235 : vector<16xf32>
        %mul3A_237 = arith.constant 32 : i32
        %mul3A_238 = vector.broadcast %mul3A_237 : i32 to vector<16xi32>
        %mul3A_239 = arith.muli %sub3A_167, %mul3A_238 : vector<16xi32>
        %add3A_240 = arith.addi %mul3A_239, %iota3A : vector<16xi32>
        %add3A_241 = arith.constant 16 : i32
        %add3A_242 = vector.broadcast %add3A_241 : i32 to vector<16xi32>
        %add3A_243 = arith.addi %add3A_240, %add3A_242 : vector<16xi32>
        %gather3A_244 = tpu.vector_load_idx %arg5[%add3A_240] : memref<2048xf32, #tpu.memory_space<vmem>>[vector<16xi32>], vector<16xf32>,
        %gather3A_245 = tpu.vector_load_idx %arg5[%add3A_243] : memref<2048xf32, #tpu.memory_space<vmem>>[vector<16xi32>], vector<16xf32>,
        %ge3A_246 = arith.cmpi sge, %add3A_240, %max3A_103 : vector<16xi32>
        %le3A_247 = arith.cmpi sle, %add3A_240, %min3A_109 : vector<16xi32>
        %and3A_248 = arith.andi %ge3A_246, %le3A_247 : vector<16xi1>
        %select_n3A_249 = arith.select %and3A_248, %broadcast_in_dim3A_5, %gather3A_244 : vector<16xi1>, vector<16xf32>
        %ge3A_250 = arith.cmpi sge, %add3A_243, %max3A_103 : vector<16xi32>
        %le3A_251 = arith.cmpi sle, %add3A_243, %min3A_109 : vector<16xi32>
        %and3A_252 = arith.andi %ge3A_250, %le3A_251 : vector<16xi1>
        %select_n3A_253 = arith.select %and3A_252, %broadcast_in_dim3A_5, %gather3A_245 : vector<16xi1>, vector<16xf32>
        %max3A_254 = arith.maximumf %select_n3A_249, %select_n3A_253 : vector<16xf32>
        %xor3A_255 = arith.constant 8 : i32
        %xor3A_256 = vector.broadcast %xor3A_255 : i32 to vector<16xi32>
        %xor3A_257 = arith.xori %iota3A, %xor3A_256 : vector<16xi32>
        %lt3A_258 = arith.constant 0 : i32
        %lt3A_259 = vector.broadcast %lt3A_258 : i32 to vector<16xi32>
        %lt3A_260 = arith.cmpi slt, %xor3A_257, %lt3A_259 : vector<16xi32>
        %add3A_261 = arith.constant 16 : i32
        %add3A_262 = vector.broadcast %add3A_261 : i32 to vector<16xi32>
        %add3A_263 = arith.addi %xor3A_257, %add3A_262 : vector<16xi32>
        %select_n3A_264 = arith.select %lt3A_260, %add3A_263, %xor3A_257 : vector<16xi1>, vector<16xi32>
        %reshape3A_265 = vector.shape_cast %select_n3A_264 : vector<16xi32> to vector<16x1xi32>
        %gather3A_266 = vector.shape_cast %reshape3A_265 : vector<16x1xi32> to vector<16xi32>
        %gather3A_267 = tpu.dynamic_gather %max3A_254[%gather3A_266] in [0] : vector<16xf32>, vector<16xi32> -> vector<16xf32>
        %max3A_268 = arith.maximumf %max3A_254, %gather3A_267 : vector<16xf32>
        %xor3A_269 = arith.constant 4 : i32
        %xor3A_270 = vector.broadcast %xor3A_269 : i32 to vector<16xi32>
        %xor3A_271 = arith.xori %iota3A, %xor3A_270 : vector<16xi32>
        %lt3A_272 = arith.constant 0 : i32
        %lt3A_273 = vector.broadcast %lt3A_272 : i32 to vector<16xi32>
        %lt3A_274 = arith.cmpi slt, %xor3A_271, %lt3A_273 : vector<16xi32>
        %add3A_275 = arith.constant 16 : i32
        %add3A_276 = vector.broadcast %add3A_275 : i32 to vector<16xi32>
        %add3A_277 = arith.addi %xor3A_271, %add3A_276 : vector<16xi32>
        %select_n3A_278 = arith.select %lt3A_274, %add3A_277, %xor3A_271 : vector<16xi1>, vector<16xi32>
        %reshape3A_279 = vector.shape_cast %select_n3A_278 : vector<16xi32> to vector<16x1xi32>
        %gather3A_280 = vector.shape_cast %reshape3A_279 : vector<16x1xi32> to vector<16xi32>
        %gather3A_281 = tpu.dynamic_gather %max3A_268[%gather3A_280] in [0] : vector<16xf32>, vector<16xi32> -> vector<16xf32>
        %max3A_282 = arith.maximumf %max3A_268, %gather3A_281 : vector<16xf32>
        %xor3A_283 = arith.constant 2 : i32
        %xor3A_284 = vector.broadcast %xor3A_283 : i32 to vector<16xi32>
        %xor3A_285 = arith.xori %iota3A, %xor3A_284 : vector<16xi32>
        %lt3A_286 = arith.constant 0 : i32
        %lt3A_287 = vector.broadcast %lt3A_286 : i32 to vector<16xi32>
        %lt3A_288 = arith.cmpi slt, %xor3A_285, %lt3A_287 : vector<16xi32>
        %add3A_289 = arith.constant 16 : i32
        %add3A_290 = vector.broadcast %add3A_289 : i32 to vector<16xi32>
        %add3A_291 = arith.addi %xor3A_285, %add3A_290 : vector<16xi32>
        %select_n3A_292 = arith.select %lt3A_288, %add3A_291, %xor3A_285 : vector<16xi1>, vector<16xi32>
        %reshape3A_293 = vector.shape_cast %select_n3A_292 : vector<16xi32> to vector<16x1xi32>
        %gather3A_294 = vector.shape_cast %reshape3A_293 : vector<16x1xi32> to vector<16xi32>
        %gather3A_295 = tpu.dynamic_gather %max3A_282[%gather3A_294] in [0] : vector<16xf32>, vector<16xi32> -> vector<16xf32>
        %max3A_296 = arith.maximumf %max3A_282, %gather3A_295 : vector<16xf32>
        %xor3A_297 = arith.constant 1 : i32
        %xor3A_298 = vector.broadcast %xor3A_297 : i32 to vector<16xi32>
        %xor3A_299 = arith.xori %iota3A, %xor3A_298 : vector<16xi32>
        %lt3A_300 = arith.constant 0 : i32
        %lt3A_301 = vector.broadcast %lt3A_300 : i32 to vector<16xi32>
        %lt3A_302 = arith.cmpi slt, %xor3A_299, %lt3A_301 : vector<16xi32>
        %add3A_303 = arith.constant 16 : i32
        %add3A_304 = vector.broadcast %add3A_303 : i32 to vector<16xi32>
        %add3A_305 = arith.addi %xor3A_299, %add3A_304 : vector<16xi32>
        %select_n3A_306 = arith.select %lt3A_302, %add3A_305, %xor3A_299 : vector<16xi1>, vector<16xi32>
        %reshape3A_307 = vector.shape_cast %select_n3A_306 : vector<16xi32> to vector<16x1xi32>
        %gather3A_308 = vector.shape_cast %reshape3A_307 : vector<16x1xi32> to vector<16xi32>
        %gather3A_309 = tpu.dynamic_gather %max3A_296[%gather3A_308] in [0] : vector<16xf32>, vector<16xi32> -> vector<16xf32>
        %max3A_310 = arith.maximumf %max3A_296, %gather3A_309 : vector<16xf32>
        %sub3A_311 = arith.constant 10 : i32
        %sub3A_312 = vector.broadcast %sub3A_311 : i32 to vector<16xi32>
        %sub3A_313 = arith.subi %add3A_97, %sub3A_312 : vector<16xi32>
        %add3A_314 = arith.addi %sub3A_313, %iota3A : vector<16xi32>
        %jit3A_315 = arith.constant 0 : i32
        %jit3A_316 = arith.constant 2047 : i32
        %max3A_317 = vector.broadcast %jit3A_315 : i32 to vector<16xi32>
        %max3A_318 = arith.maxsi %max3A_317, %add3A_314 : vector<16xi32>
        %min3A_319 = vector.broadcast %jit3A_316 : i32 to vector<16xi32>
        %min3A_320 = arith.minsi %min3A_319, %max3A_318 : vector<16xi32>
        %ge3A_321 = arith.constant 0 : i32
        %ge3A_322 = vector.broadcast %ge3A_321 : i32 to vector<16xi32>
        %ge3A_323 = arith.cmpi sge, %add3A_314, %ge3A_322 : vector<16xi32>
        %le3A_324 = arith.constant 2047 : i32
        %le3A_325 = vector.broadcast %le3A_324 : i32 to vector<16xi32>
        %le3A_326 = arith.cmpi sle, %add3A_314, %le3A_325 : vector<16xi32>
        %and3A_327 = arith.andi %ge3A_323, %le3A_326 : vector<16xi1>
        tpu.vector_store_idx %arg5[%min3A_320], %broadcast_in_dim3A_5 masked %and3A_327 : memref<2048xf32, #tpu.memory_space<vmem>>[vector<16xi32>], vector<16xf32>, vector<16xi1>
        %add3A_328 = arith.constant 10 : i32
        %add3A_329 = vector.broadcast %add3A_328 : i32 to vector<16xi32>
        %add3A_330 = arith.addi %add3A_97, %add3A_329 : vector<16xi32>
        %sub3A_331 = arith.constant 4 : i32
        %sub3A_332 = vector.broadcast %sub3A_331 : i32 to vector<16xi32>
        %sub3A_333 = arith.subi %add3A_330, %sub3A_332 : vector<16xi32>
        %add3A_334 = arith.addi %sub3A_333, %iota3A : vector<16xi32>
        %jit3A_335 = arith.constant 0 : i32
        %jit3A_336 = arith.constant 2047 : i32
        %max3A_337 = vector.broadcast %jit3A_335 : i32 to vector<16xi32>
        %max3A_338 = arith.maxsi %max3A_337, %add3A_334 : vector<16xi32>
        %min3A_339 = vector.broadcast %jit3A_336 : i32 to vector<16xi32>
        %min3A_340 = arith.minsi %min3A_339, %max3A_338 : vector<16xi32>
        %le3A_341 = arith.constant 4 : i32
        %le3A_342 = vector.broadcast %le3A_341 : i32 to vector<16xi32>
        %le3A_343 = arith.cmpi sle, %iota3A, %le3A_342 : vector<16xi32>
        %le3A_344 = arith.constant 2047 : i32
        %le3A_345 = vector.broadcast %le3A_344 : i32 to vector<16xi32>
        %le3A_346 = arith.cmpi sle, %add3A_334, %le3A_345 : vector<16xi32>
        %and3A_347 = arith.andi %le3A_343, %le3A_346 : vector<16xi1>
        tpu.vector_store_idx %arg5[%min3A_340], %broadcast_in_dim3A_5 masked %and3A_347 : memref<2048xf32, #tpu.memory_space<vmem>>[vector<16xi32>], vector<16xf32>, vector<16xi1>
        %sub3A_348 = arith.constant 0 : i32
        %sub3A_349 = vector.broadcast %sub3A_348 : i32 to vector<16xi32>
        %sub3A_350 = arith.subi %min3A_70, %sub3A_349 : vector<16xi32>
        %eq3A_351 = arith.cmpi eq, %iota3A, %sub3A_350 : vector<16xi32>
        %select_n3A_352 = arith.select %eq3A_351, %max3A_236, %while3A_30 : vector<16xi1>, vector<16xf32>
        %sub3A_353 = arith.constant 0 : i32
        %sub3A_354 = vector.broadcast %sub3A_353 : i32 to vector<16xi32>
        %sub3A_355 = arith.subi %sub3A_167, %sub3A_354 : vector<16xi32>
        %eq3A_356 = arith.cmpi eq, %iota3A, %sub3A_355 : vector<16xi32>
        %select_n3A_357 = arith.select %eq3A_356, %max3A_310, %select_n3A_352 : vector<16xi1>, vector<16xf32>
        %sub3A_358 = arith.constant 16 : i32
        %sub3A_359 = vector.broadcast %sub3A_358 : i32 to vector<16xi32>
        %sub3A_360 = arith.subi %min3A_70, %sub3A_359 : vector<16xi32>
        %eq3A_361 = arith.cmpi eq, %iota3A, %sub3A_360 : vector<16xi32>
        %select_n3A_362 = arith.select %eq3A_361, %max3A_236, %while3A_31 : vector<16xi1>, vector<16xf32>
        %sub3A_363 = arith.constant 16 : i32
        %sub3A_364 = vector.broadcast %sub3A_363 : i32 to vector<16xi32>
        %sub3A_365 = arith.subi %sub3A_167, %sub3A_364 : vector<16xi32>
        %eq3A_366 = arith.cmpi eq, %iota3A, %sub3A_365 : vector<16xi32>
        %select_n3A_367 = arith.select %eq3A_366, %max3A_310, %select_n3A_362 : vector<16xi1>, vector<16xf32>
        %sub3A_368 = arith.constant 32 : i32
        %sub3A_369 = vector.broadcast %sub3A_368 : i32 to vector<16xi32>
        %sub3A_370 = arith.subi %min3A_70, %sub3A_369 : vector<16xi32>
        %eq3A_371 = arith.cmpi eq, %iota3A, %sub3A_370 : vector<16xi32>
        %select_n3A_372 = arith.select %eq3A_371, %max3A_236, %while3A_32 : vector<16xi1>, vector<16xf32>
        %sub3A_373 = arith.constant 32 : i32
        %sub3A_374 = vector.broadcast %sub3A_373 : i32 to vector<16xi32>
        %sub3A_375 = arith.subi %sub3A_167, %sub3A_374 : vector<16xi32>
        %eq3A_376 = arith.cmpi eq, %iota3A, %sub3A_375 : vector<16xi32>
        %select_n3A_377 = arith.select %eq3A_376, %max3A_310, %select_n3A_372 : vector<16xi1>, vector<16xf32>
        %sub3A_378 = arith.constant 48 : i32
        %sub3A_379 = vector.broadcast %sub3A_378 : i32 to vector<16xi32>
        %sub3A_380 = arith.subi %min3A_70, %sub3A_379 : vector<16xi32>
        %eq3A_381 = arith.cmpi eq, %iota3A, %sub3A_380 : vector<16xi32>
        %select_n3A_382 = arith.select %eq3A_381, %max3A_236, %while3A_33 : vector<16xi1>, vector<16xf32>
        %sub3A_383 = arith.constant 48 : i32
        %sub3A_384 = vector.broadcast %sub3A_383 : i32 to vector<16xi32>
        %sub3A_385 = arith.subi %sub3A_167, %sub3A_384 : vector<16xi32>
        %eq3A_386 = arith.cmpi eq, %iota3A, %sub3A_385 : vector<16xi32>
        %select_n3A_387 = arith.select %eq3A_386, %max3A_310, %select_n3A_382 : vector<16xi1>, vector<16xf32>
        %max3A_388 = arith.maximumf %select_n3A_357, %select_n3A_367 : vector<16xf32>
        %max3A_389 = arith.maximumf %select_n3A_377, %select_n3A_387 : vector<16xf32>
        %max3A_390 = arith.maximumf %max3A_388, %max3A_389 : vector<16xf32>
        %reduce_max3A_391 = arith.constant true
        %reduce_max3A_392 = vector.broadcast %reduce_max3A_391 : i1 to vector<16xi1>
        %reduce_max3A_393 = tpu.scan <max>, %max3A_390 masked %reduce_max3A_392 : vector<16xf32>, vector<16xi1> -> vector<16xf32>
        %reduce_max3A_394 = vector.extract %reduce_max3A_393[15] : f32 from vector<16xf32>
        %broadcast_in_dim3A_395 = vector.broadcast %reduce_max3A_394 : f32 to vector<16xf32>
        %add3A_396 = arith.constant 1 : i32
        %add3A_397 = arith.addi %while3A_29, %add3A_396 : i32
        %gt3A_398 = arith.constant 0xFF800000 : f32
        %gt3A_399 = arith.cmpf ogt, %reduce_max3A_394, %gt3A_398 : f32
        scf.yield %add3A_397, %select_n3A_357, %select_n3A_367, %select_n3A_377, %select_n3A_387, %broadcast_in_dim3A_395, %gt3A_399 : i32, vector<16xf32>, vector<16xf32>, vector<16xf32>, vector<16xf32>, vector<16xf32>, i1
      }
      "tpu.region"() ({
        %run_scoped3A = tpu.sem_alloc : memref<!tpu.dma_semaphore, #tpu.memory_space<semaphore_mem>>
        %dma_start3A = arith.constant 0 : i32
        %dma_start3A_29 = tpu.memref_slice %arg3[%add3A, %dma_start3A] : memref<8x2048xf32, #tpu.memory_space<hbm>> -> memref<1x2048xf32, #tpu.memory_space<hbm>>
        %dma_start3A_30 = tpu.memref_squeeze %dma_start3A_29 : memref<1x2048xf32, #tpu.memory_space<hbm>> -> memref<2048xf32, #tpu.memory_space<hbm>>
        %dma_start3A_31 = arith.constant 0 : i32
        %dma_start3A_32 = tpu.memref_slice %arg3[%add3A, %dma_start3A_31] : memref<8x2048xf32, #tpu.memory_space<hbm>> -> memref<1x2048xf32, #tpu.memory_space<hbm>>
        %dma_start3A_33 = tpu.memref_squeeze %dma_start3A_32 : memref<1x2048xf32, #tpu.memory_space<hbm>> -> memref<2048xf32, #tpu.memory_space<hbm>>
        tpu.enqueue_dma source(%arg7 : memref<2048xf32, #tpu.memory_space<vmem>>) target(%dma_start3A_33 : memref<2048xf32, #tpu.memory_space<hbm>>) target_semaphore(%run_scoped3A : memref<!tpu.dma_semaphore, #tpu.memory_space<semaphore_mem>>)
        %dma_wait3A = arith.constant 0 : i32
        %dma_wait3A_34 = tpu.memref_slice %arg3[%add3A, %dma_wait3A] : memref<8x2048xf32, #tpu.memory_space<hbm>> -> memref<1x2048xf32, #tpu.memory_space<hbm>>
        %dma_wait3A_35 = tpu.memref_squeeze %dma_wait3A_34 : memref<1x2048xf32, #tpu.memory_space<hbm>> -> memref<2048xf32, #tpu.memory_space<hbm>>
        %dma_wait3A_36 = arith.constant 0 : i32
        %dma_wait3A_37 = tpu.memref_slice %arg3[%add3A, %dma_wait3A_36] : memref<8x2048xf32, #tpu.memory_space<hbm>> -> memref<1x2048xf32, #tpu.memory_space<hbm>>
        %dma_wait3A_38 = tpu.memref_squeeze %dma_wait3A_37 : memref<1x2048xf32, #tpu.memory_space<hbm>> -> memref<2048xf32, #tpu.memory_space<hbm>>
        tpu.wait_dma2 semaphore(%run_scoped3A : memref<!tpu.dma_semaphore, #tpu.memory_space<semaphore_mem>>) src(%arg7 : memref<2048xf32, #tpu.memory_space<vmem>>) dst(%dma_wait3A_38 : memref<2048xf32, #tpu.memory_space<hbm>>)
        tpu.yield
      }) : () -> ()
    } else {
    }
    return
  }
}

</mosaic_0001>

<sc_bundles>
// kernel: kernel.3.cloned.1.call-start
scs
__scs_entry_jumppad:
0x0: {  	(pc) =	sbr.rel $0x88, $3  }
0x1: {  	(tag) =	ssettag $0x0;
	lr =	simm.s32 $0x1  }
0x2: {  	[smem:$0x3FA0] =	sst lr;
	_ =	strace $0xD0000000  }
0x3: {  	_ = 	snop  }
0x4: {  	_ = 	snop  }
0x5: {  	_ = 	snop  }
0x6: {  	_ = 	snop  }
0x7: {  	_ = 	snop  }
__scs_overlays_trampoline_lowered:
0x8: {  	[smem:$0x3FAF] =	sst s0  }
0x9: {  	[smem:$0x3FB0] =	sst s1  }
0xa: {  	[smem:$0x3FB1] =	sst s2  }
0xb: {  	[smem:$0x3FB2] =	sst s3  }
0xc: {  	[smem:$0x3FB3] =	sst s4  }
0xd: {  	[smem:$0x3FB4] =	sst s5  }
0xe: {  	[smem:$0x3FB5] =	sst s6  }
0xf: {  	[smem:$0x3FB6] =	sst s7  }
0x10: {  	[smem:$0x3FB7] =	sst s8  }
0x11: {  	[smem:$0x3FB8] =	sst s9;
	s0 =	simm.s32 @!p0 $0x0  }
0x12: {  	s1 =	sld [smem:$0x3F9E];
	s0 =	simm.s32 @p0 $0x1  }
0x13: {  	[smem:$0x3FB9] =	sst s0;
	s0 =	simm.s32 @!p1 $0x0  }
0x14: {  	s2 =	sld [smem:$0x3F9D];
	s0 =	simm.s32 @p1 $0x1  }
0x15: {  	[smem:$0x3FBA] =	sst s0;
	s0 =	simm.s32 @!p2 $0x0  }
0x16: {  	s3 =	sld [smem:$0x3FDB];
	s0 =	simm.s32 @p2 $0x1  }
0x17: {  	s4 =	simm.s32 $0x1BF5;
	[smem:$0x3FBC] =	sst s0  }
0x18: {  	s0 =	sld [smem:$0x3F9F];
	_ =	swait.ge [sflag:s4], $0x0  }
0x19: {  	s7 =	sld [smem:$0x3FA0]  }
0x1a: {  	s8 =	sadd.s32 $0xFFFFE003, lr  }
0x1b: {  	s9 =	sadd.s32 $0xFFFFFEF7, lr;
	s5 =	simm.s32 $0xFFFFFFFF;
	p2 =	slt.u32 s8, $0xFFFFF086  }
0x1c: {  	p1 =	slt.u32 s9, $0xF7A;
	s5 =	simm.s32 @!p2 $0x0  }
0x1d: {  	s5 =	simm.s32 @p1 $0x1;
	p0 =	seq.s32 s7, s2  }
0x1e: {  	s7 =	smul.u32 @!p0 $0xF7A, s2;
	p2 =	seq.s32 @!p0 s5, $0x0  }
0x1f: {  	s9 =	smul.u32 $0xF7A, s1;
	s8 =	simm.s32 @!p0 $0x1BF5;
	p2 =	por !p2, p0  }
0x20: {  	[sflag:s8] =	ssyncset.s32 @!p0 $0xFFFFF086;
	s6 =	sadd.s32 @!p0 s3, s7;
	s7 =	simm.s32 @!p0 $0x108  }
0x21: {  	s3 =	sadd.s32 s3, s9;
	s6 =	sadd.s32 @!p0 $0x88, s6;
	s7 =	simm.s32 @p2 $0x1082  }
0x22: {  	[simem:s7], [sflag:s8] =	dma.local @!p0 [hbm:s6], $0xF7A  }
0x23: {  	s9 =	sor.u32 $0xD0000000, s2;
	s6 =	simm.s32 $0x108;
	_ =	swait.ge @!p0 [sflag:s8], $0x0  }
0x24: {  	s3 =	sadd.s32 $0x88, s3;
	s6 =	simm.s32 @!p1 $0x1082;
	[sflag:s4] =	ssyncset.s32 $0xFFFFF086  }
0x25: {  	[simem:s6], [sflag:s4] =	dma.local [hbm:s3], $0xF7A  }
0x26: {  	[smem:$0x3FA0] =	sst s1;
	(tag) =	ssettag s2;
	_ =	strace s9  }
0x27: {  	s1 =	sld [smem:$0x3FB0]  }
0x28: {  	s2 =	sld [smem:$0x3FB1]  }
0x29: {  	s4 =	sld [smem:$0x3FB3]  }
0x2a: {  	p0 =	seq.s32 s5, $0x0;
	s5 =	sld [smem:$0x3FB4]  }
0x2b: {  	s6 =	sld [smem:$0x3FB5]  }
0x2c: {  	s7 =	sld [smem:$0x3FB6]  }
0x2d: {  	s3 =	simm.s32 $0x108;
	s8 =	sld [smem:$0x3FB7]  }
0x2e: {  	s3 =	simm.s32 @!p0 $0x1082;
	s9 =	sld [smem:$0x3FB8]  }
0x2f: {  	lr =	sadd.s32 s0, s3;
	s0 =	sld [smem:$0x3FAF]  }
0x30: {  	s3 =	sld [smem:$0x3FB2]  }
0x31: {  	[smem:$0x3FBB] =	sst s10  }
0x32: {  	s10 =	sld [smem:$0x3FB9];
	_ =	sdelay $0x3  }
0x33: {  	p0 =	seq.s32 s10, $0x1;
	s10 =	sld [smem:$0x3FBB];
	_ =	sdelay $0x3  }
0x34: {  	[smem:$0x3FBB] =	sst s10  }
0x35: {  	s10 =	sld [smem:$0x3FBA];
	_ =	sdelay $0x3  }
0x36: {  	p1 =	seq.s32 s10, $0x1;
	s10 =	sld [smem:$0x3FBB];
	_ =	sdelay $0x3  }
0x37: {  	[smem:$0x3FBB] =	sst s10  }
0x38: {  	s10 =	sld [smem:$0x3FBC]  }
0x39: {  	_ = 	snop;
	(pc) =	sbr.ind lr, $3  }
0x3a: {  	_ = 	snop  }
0x3b: {  	_ = 	snop  }
0x3c: {  	p2 =	seq.s32 s10, $0x1;
	s10 =	sld [smem:$0x3FBB]  }
0x3d: {  	_ =	shalt  }
0x3e: {  	_ =	shalt  }
0x3f: {  	_ =	shalt  }
0x40: {  	_ =	shalt  }
0x41: {  	_ =	shalt  }
0x42: {  	_ =	shalt  }
0x43: {  	_ =	shalt  }
0x44: {  	_ =	shalt  }
0x45: {  	_ =	shalt  }
0x46: {  	_ =	shalt  }
0x47: {  	_ =	shalt  }
0x48: {  	_ =	shalt  }
0x49: {  	_ =	shalt  }
0x4a: {  	_ =	shalt  }
0x4b: {  	_ =	shalt  }
0x4c: {  	_ =	shalt  }
0x4d: {  	_ =	shalt  }
0x4e: {  	_ =	shalt  }
0x4f: {  	_ =	shalt  }
0x50: {  	_ =	shalt  }
0x51: {  	_ =	shalt  }
0x52: {  	_ =	shalt  }
0x53: {  	_ =	shalt  }
0x54: {  	_ =	shalt  }
0x55: {  	_ =	shalt  }
0x56: {  	_ =	shalt  }
0x57: {  	_ =	shalt  }
0x58: {  	_ =	shalt  }
0x59: {  	_ =	shalt  }
0x5a: {  	_ =	shalt  }
0x5b: {  	_ =	shalt  }
0x5c: {  	_ =	shalt  }
0x5d: {  	_ =	shalt  }
0x5e: {  	_ =	shalt  }
0x5f: {  	_ =	shalt  }
0x60: {  	_ =	shalt  }
0x61: {  	_ =	shalt  }
0x62: {  	_ =	shalt  }
0x63: {  	_ =	shalt  }
0x64: {  	_ =	shalt  }
0x65: {  	_ =	shalt  }
0x66: {  	_ =	shalt  }
0x67: {  	_ =	shalt  }
0x68: {  	_ =	shalt  }
0x69: {  	_ =	shalt  }
0x6a: {  	_ =	shalt  }
0x6b: {  	_ =	shalt  }
0x6c: {  	_ =	shalt  }
0x6d: {  	_ =	shalt  }
0x6e: {  	_ =	shalt  }
0x6f: {  	_ =	shalt  }
0x70: {  	_ =	shalt  }
0x71: {  	_ =	shalt  }
0x72: {  	_ =	shalt  }
0x73: {  	_ =	shalt  }
0x74: {  	_ =	shalt  }
0x75: {  	_ =	shalt  }
0x76: {  	_ =	shalt  }
0x77: {  	_ =	shalt  }
0x78: {  	_ =	shalt  }
0x79: {  	_ =	shalt  }
0x7a: {  	_ =	shalt  }
0x7b: {  	_ =	shalt  }
0x7c: {  	_ =	shalt  }
0x7d: {  	_ =	shalt  }
0x7e: {  	_ =	shalt  }
0x7f: {  	_ =	shalt  }
0x80: {  	_ =	shalt  }
0x81: {  	_ =	shalt  }
0x82: {  	_ =	shalt  }
0x83: {  	_ =	shalt  }
0x84: {  	_ =	shalt  }
0x85: {  	_ =	shalt  }
0x86: {  	_ =	shalt  }
0x87: {  	_ =	shalt  }
.Lfunc_end0:
.L_simem_size_0:
called_computation_lowered:
.L_overlay_start_0:
0x88: {  	s2 =	sld [smem:$0x3FD9]  }
0x89: {  	s3 =	sld [smem:$0x3FFE];
	_ =	sdelay $0x1  }
0x8a: {  	s1 =	srdreg.scid  }
0x8b: {  	s0 =	sand.u32 $0x1, s1  }
0x8c: {  	s17 =	sshll.u32 s0, $0xA;
	s2 =	sadd.s32 s3, s2  }
0x8d: {  	s2 =	sadd.s32 s2, s17  }
0x8e: {  	[smem:$0x3FC7] =	sst s2  }
0x8f: {  	_ = 	snop  }
0x90: {  	s2 =	sld [smem:$0x3FD0];
	(tm) =	ssettm $0x1  }
0x91: {  	s18 =	sld [smem:$0x3FFB];
	_ =	sdelay $0x3  }
0x92: {  	_ =	strace s18  }
0x93: {  	s3 =	sld [smem:$0x3FFC];
	_ =	sdelay $0x3  }
0x94: {  	_ =	strace s3  }
0x95: {  	s3 =	sld [smem:$0x3FFD];
	_ =	sdelay $0x3  }
0x96: {  	_ =	strace s3  }
0x97: {  	_ =	strace $0x8FFFFFFF  }
0x98: {  	s19 =	sld [smem:$0x3FDB];
	_ =	sdelay $0x1  }
0x99: {  	s4 =	simm.s32 $_scs_section_size  }
0x9a: {  	s5 =	simm.s32 $_size__tile_overlayer_lowered;
	s6 =	simm.s32 $_tile_overlayer_lowered  }
0x9b: {  	s22 =	simm.s32 $0x1BFF;
	s21 =	sshll.u32 s6, $0x1;
	s3 =	sadd.s32 s4, s19  }
0x9c: {  	s7 =	simm.s32 $0x0;
	s20 =	sshll.u32 s5, $0x1;
	s5 =	sadd.s32 s21, s3  }
0x9d: {  	[timem:s7], [sflag:s22] =	dma.local [hbm:s5], s20  }
0x9e: {  	_ =	swait.ge [sflag:s22], s20  }
0x9f: {  	s4 =	ssub.s32 $0x0, s20;
	[sflag:s22] =	ssyncset.done $0x0  }
0xa0: {  	[sflag:s22] =	ssyncadd.s32 s4;
	_ =	sdelay $0x1  }
0xa1: {  	s23 =	simm.s32 $0x1B8B  }
0xa2: {  	_ =	swait.ge [sflag:s23], $0x1  }
0xa3: {  	[sflag:s23] =	ssyncset.done $0x0  }
0xa4: {  	s25 =	simm.s32 $0x1B8E;
	s24 =	sld [smem:$0x3FFE];
	[sflag:s23] =	ssyncadd.s32 $0xFFFFFFFF  }
0xa5: {  	s26 =	simm.s32 $execute0_lowered;
	[smem:$0x3FD2] =	sst s25  }
0xa6: {  	s5 =	sshll.u32 s26, $0x1;
	_ =	strace $0x80000046;
	[dreg:$0x1] =	wrdreg $0xFFFFFFFF  }
0xa7: {  	s28 =	simm.s32 $_size_execute0_lowered;
	s3 =	sadd.s32 s3, s5;
	[dreg:$0x0] =	wrdreg $0x0  }
0xa8: {  	s5 =	sshll.u32 s28, $0x1;
	[dreg:$0x2] =	wrdreg s3  }
0xa9: {  	[dreg:$0x3] =	wrdreg s5  }
0xaa: {  	[dreg:$0x4] =	wrdreg $0xC0  }
0xab: {  	_ =	task [dreg:s7], $0x5FFFF  }
0xac: {  	[dreg:$0x1] =	wrdreg $0xFFFFFFFF  }
0xad: {  	[dreg:$0x0] =	wrdreg $0x60  }
0xae: {  	[dreg:$0x2] =	wrdreg s2  }
0xaf: {  	[dreg:$0x3] =	wrdreg s24  }
0xb0: {  	[dreg:$0x4] =	wrdreg $0x9  }
0xb1: {  	_ =	task.clear_ibuf [dreg:s7], $0x5FFFF;
	_ =	strace $0x90000046  }
0xb2: {  	s29 =	simm.s32 $0x9;
	_ =	strace $0x80000048  }
0xb3: {  	_ =	swait.ge [sflag:s29], $0x1  }
0xb4: {  	[sflag:s29] =	ssyncadd.s32 $0xFFFFFFFF  }
0xb5: {  	_ =	strace $0x90000048  }
0xb6: {  	_ =	sfence  }
0xb7: {  	s30 =	sld [smem:$0x0];
	_ =	sdelay $0x2  }
0xb8: {  	s31 =	sshll.u32 s1, $0xD;
	s1 =	sshrl.u32 s1, $0x2  }
0xb9: {  	s3 =	sand.u32 $0x4000, s31;
	s1 =	sadd.s32 s1, s30  }
0xba: {  	s0 =	sor.u32 s3, s0;
	s1 =	sshll.u32 s1, $0x11  }
0xbb: {  	s0 =	sor.u32 s1, s0  }
0xbc: {  	s0 =	sadd.s32 $0x8F2B, s0  }
0xbd: {  	[sflag:s0] =	ssyncadd.remote.s32 $0x1  }
0xbe: {  	_ =	sfence.sel $0xFFFF  }
0xbf: {  	[dreg:$0x0] =	wrdreg $0xFFFFFFFF;
	(pc) =	sbr.abs _section_cstart, $3  }
0xc0: {  	[dreg:$0x1] =	wrdreg $0xFFFFFFFF  }
0xc1: {  	_ =	task.clear_ibuf [dreg:s7], $0x2FFFF;
	_ =	strace $0x9FFFFFFF  }
0xc2: {  	(tm) =	ssettm $0x7FFFFFFF  }
0xc3: {  	_ =	shalt  }
tec
execute0_lowered:
.L_overlay_start_1:
0x0: {  	(tag) =	ssettag $0x1  }
0x1: {  	s0 =	srdreg.scid  }
0x2: {  	s5 =	sand.u32 $0x1, s0  }
0x3: {  	s1 =	stileid.u32;
	s6 =	sshll.u32 s5, $0x4  }
0x4: {  	s6 =	sor.u32 s1, s6  }
0x5: {  	p0 =	sgt.u32 s6, $0x7  }
.Ltmp0:
0x6: {  	_ = 	snop;
	(pc) =	sbr.rel @p0 .LBB2_8-.Ltmp0, $4  }
0x7: {  	s4 =	rddreg [dreg:$0x0]  }
0x8: {  	s3 =	rddreg [dreg:$0x1];
	s2 =	simm.s32 $0x0  }
0x9: {  	[smem:$0x7FF] =	sst s2  }
0xa: {  	s0 =	rddreg [dreg:$0x2];
	_ =	strace $0x80000047  }
0xb: {  	v1 =	vimm.s32 $0xFEDCBA98;
	v0 =	vlaneseq.u32;
	v4 =	vimm.s32 $0x76543210  }
0xc: {  	v7 =	vimm.s32 $0x32107654;
	v8 =	vimm.s32 $0xDCFE98BA;
	v9 =	vimm.s32 $0x54761032  }
0xd: {  	v10 =	vimm.s32 $0xEFCDAB89;
	v11 =	vimm.s32 $0x67452301;
	vm0 =	vmmov $0x1f  }
0xe: {  	v3 =	vunpack.c.l.s4.s8 v1;
	v1 =	vadd.s32 $0xFFFFFFFF, v0;
	v2 =	vadd.s32 $0x1, v0  }
0xf: {  	v5 =	vmul.u32 $0xFFFFFFFF, v0;
	v4 =	vunpack.c.l.s4.s8 v4;
	v7 =	vunpack.c.l.s4.s8 v7  }
0x10: {  	v8 =	vunpack.c.l.s4.s8 v8;
	v9 =	vunpack.c.l.s4.s8 v9;
	v10 =	vunpack.c.l.s4.s8 v10  }
0x11: {  	v11 =	vunpack.c.l.s4.s8 v11;
	v6 =	vunpack.c.0.s8.s32 v3;
	v3 =	vimm.s32 $0xBA98FEDC  }
0x12: {  	v13 =	vadd.s32 $0x6, v0;
	v8 =	vunpack.c.0.s8.s32 v8;
	v3 =	vunpack.c.l.s4.s8 v3  }
0x13: {  	v9 =	vunpack.c.0.s8.s32 v9;
	v10 =	vunpack.c.0.s8.s32 v10;
	v11 =	vunpack.c.0.s8.s32 v11  }
0x14: {  	s6 =	sshll.u32 s1, $0x4;
	v14 =	vor.u32 $0x20, v0;
	v7 =	vunpack.c.0.s8.s32 v7;
	v12 =	vunpack.c.0.s8.s32 v3  }
.Ltmp1:
0x15: {  	s5 =	ssub.s32 $0x2, s5;
	s8 =	simm.s32 $0x1;
	v6 =	vand.u32 $0xF, v6;
	v8 =	vcombine.low v9, v8;
	v9 =	vcombine.low v11, v10;
	(pc) =	sbr.rel .LBB2_2-.Ltmp1, $4  }
0x16: {  	s9 =	simm.s32 $0x1000;
	s10 =	simm.s32 $0x1080;
	s11 =	simm.s32 $0x800;
	v3 =	vadd.s32 $0x7FF, v5;
	v5 =	vunpack.c.0.s8.s32 v4;
	v7 =	vcombine.low v7, v12  }
0x17: {  	s12 =	simm.s32 $0x0;
	s3 =	sadd.s32 s6, s3;
	s7 =	sshrl.u32 s5, $0x1;
	v10 =	vimm.s32 $0x0;
	v11 =	vimm.f32 $-Inf;
	v4 =	vimm.f32 $0.0e+00  }
0x18: {  	s4 =	sadd.s32 s4, s6;
	s6 =	simm.s32 $0x80;
	s5 =	ssub.s32 s5, s7;
	v5 =	vcombine.low v6, v5;
	v12 =	vadd.s32 $0xFFFFFFF6, v0;
	v6 =	vand.u32 $0xF, v7  }
0x19: {  	s3 =	sadd.s32 $0x400, s3;
	s7 =	simm.s32 $0x400;
	s5 =	smax.u32 s5, $0x1;
	v7 =	vand.u32 $0xF, v8;
	v8 =	vand.u32 $0xF, v9;
	v9 =	vor.u32 $0x10, v0  }
.LBB2_7:
0x1a: {  	s12 =	sadd.s32 $0x1, s12  }
0x1b: {  	p0 =	sne.s32 s12, s5  }
.Ltmp2:
0x1c: {  	_ = 	snop;
	(pc) =	sbr.rel @!p0 .LBB2_8-.Ltmp2, $4  }
0x1d: {  	[hbm4b:s3+s6] =	stream.strided.scatter [tilespmem:s10], [sflag:$0x1], $0x800, s7, s6, $0x38;
	[tilespmem:$0x1880] =	vst v63  }
0x1e: {  	_ =	swait.ge [sflag:s8], $0x800  }
0x1f: {  	[sflag:s8] =	ssyncset.done $0x0  }
0x20: {  	[sflag:s8] =	ssyncadd.s32 $0xFFFFF800  }
.LBB2_2:
0x21: {  	s14 =	simm.s32 $0x0  }
0x22: {  	v15 =	vadd.s32 s14, v1  }
0x23: {  	s13 =	simm.s32 $0x0;
	vm1 =	vgt.s32 v15, $0x0  }
0x24: {  	[tilespmem:s13], [sflag:$0x1] =	stream.strided.gather [hbm4b:s4+s6], $0x800, s7, s6, $0x38;
	v15 =	vnsel vm1, $0x0, v15;
	[tilespmem:$0x1880] =	vst v63  }
0x25: {  	_ =	swait.ge [sflag:s8], $0x800  }
0x26: {  	v16 =	vor.u32 s14, v2;
	[sflag:s8] =	ssyncset.done $0x0  }
0x27: {  	s16 =	simm.s32 $0x40;
	[sflag:s8] =	ssyncadd.s32 $0xFFFFF800  }
0x28: {  	v17 =	vld [tilespmem:s16+$0xFFFFFFC0]  }
0x29: {  	v15 =	vld.idx.msk [tilespmem:v15+s2+$0x0], $0xffff;
	_ =	sdelay $0x1  }
0x2a: {  	v16 =	vld.idx.msk [tilespmem:v16+s2+$0x0], $0xffff;
	_ =	sdelay $0x2  }
0x2b: {  	v18 =	vmov s14;
	v15 =	vsub.f32 v17, v15  }
0x2c: {  	vm2 =	vlt.u32 v18, v3  }
0x2d: {  	vm1 =	veq.s32 v18, v0;
	vm3 =	vgt.f32 v16, v17;
	vm4 =	vle.f32 v15, $0.0e+00  }
0x2e: {  	vm2 =	vmand vm2, vm3;
	vm3 =	vle.f32 v17, $0.0e+00;
	vm1 =	vmor vm1, vm4  }
0x2f: {  	s17 =	simm.s32 $0x10;
	vm11 =	vmneg vm3;
	vm4 =	vmor vm2, vm1  }
0x30: {  	v15 =	vadd.s32 s17, v1;
	vm1 =	vmand vm2, vm1;
	vm2 =	vmneg vm4  }
0x31: {  	vm5 =	vgt.s32 v15, $0x0;
	vm1 =	vmand vm3, vm1;
	vm2 =	vmand vm11, vm2  }
0x32: {  	v16 =	vand.u32 $0x7FFFFFFF, v17;
	v15 =	vnsel vm5, $0x0, v15;
	vm1 =	vmor vm1, vm2  }
0x33: {  	s14 =	simm.s32 $0x840;
	v17 =	vadd.s32 s17, v2;
	v16 =	vnsel vm1, $0xFF800000, v16  }
0x34: {  	s15 =	simm.s32 $0x10C0;
	[tilespmem:s14+$0xFFFFFFC0] =	vst v16  }
0x35: {  	[tilespmem:s15+$0xFFFFFFC0] =	vst v4  }
0x36: {  	v18 =	vld [tilespmem:s16+$0xFFFFFFD0]  }
0x37: {  	v15 =	vld.idx.msk [tilespmem:v15+s2+$0x0], $0xffff  }
0x38: {  	v17 =	vld.idx.msk [tilespmem:v17+s2+$0x0], $0xffff;
	_ =	sdelay $0x3  }
0x39: {  	v19 =	vmov s17;
	v15 =	vsub.f32 v18, v15  }
0x3a: {  	vm1 =	vlt.u32 v19, v3;
	vm2 =	vgt.f32 v17, v18  }
0x3b: {  	vm1 =	vmand vm1, vm2;
	vm2 =	vle.f32 v15, $0.0e+00  }
0x3c: {  	vm3 =	vle.f32 v18, $0.0e+00;
	vm12 =	vmor vm2, vm1  }
0x3d: {  	vm13 =	vmneg vm3;
	vm1 =	vmand vm2, vm1;
	vm2 =	vmneg vm12  }
0x3e: {  	vm1 =	vmand vm3, vm1;
	vm2 =	vmand vm13, vm2  }
0x3f: {  	v15 =	vand.u32 $0x7FFFFFFF, v18;
	vm1 =	vmor vm1, vm2  }
0x40: {  	v15 =	vnsel vm1, $0xFF800000, v15  }
0x41: {  	v16 =	vmax.f32 v16, v15  }
0x42: {  	v17 =	vperm.xlane v16, v5;
	_ =	sdelay $0x1  }
0x43: {  	v16 =	vmax.f32 v16, v17  }
0x44: {  	v17 =	vperm.xlane v16, v6  }
0x45: {  	v18 =	vmov s13  }
0x46: {  	v16 =	vmax.f32 v16, v17;
	v17 =	vand.u32 $0xFFFFFFFC, v18  }
0x47: {  	s24 =	simm.s32 $0x20;
	v18 =	vperm.xlane v16, v7;
	v17 =	vbroadcast v17, $0x0  }
0x48: {  	v19 =	vadd.s32 s24, v1  }
0x49: {  	vm1 =	vgt.s32 v19, $0x0;
	v16 =	vmax.f32 v16, v18  }
0x4a: {  	v19 =	vnsel vm1, $0x0, v19;
	v18 =	vperm.xlane v16, v8  }
0x4b: {  	v20 =	vor.u32 s24, v2;
	[tilespmem:s14+$0xFFFFFFD0] =	vst v15  }
0x4c: {  	[tilespmem:s15+$0xFFFFFFD0] =	vst v4;
	v15 =	vmax.f32 v16, v18  }
0x4d: {  	[tilespmem:v17+s9+$0x0] =	vst.idx.msk $0x1, v15  }
0x4e: {  	v15 =	vld [tilespmem:s16+$0xFFFFFFE0]  }
0x4f: {  	v16 =	vld.idx.msk [tilespmem:v19+s2+$0x0], $0xffff  }
0x50: {  	v17 =	vld.idx.msk [tilespmem:v20+s2+$0x0], $0xffff;
	_ =	sdelay $0x3  }
0x51: {  	v18 =	vmov s24;
	v16 =	vsub.f32 v15, v16  }
0x52: {  	vm1 =	vlt.u32 v18, v3;
	vm2 =	vgt.f32 v17, v15  }
0x53: {  	vm1 =	vmand vm1, vm2;
	vm2 =	vle.f32 v15, $0.0e+00;
	vm3 =	vle.f32 v16, $0.0e+00  }
0x54: {  	s18 =	simm.s32 $0x30;
	vm14 =	vmneg vm2;
	vm15 =	vmor vm3, vm1  }
0x55: {  	v16 =	vadd.s32 s18, v1;
	vm1 =	vmand vm3, vm1;
	vm3 =	vmneg vm15  }
0x56: {  	vm1 =	vmand vm2, vm1;
	vm2 =	vmand vm14, vm3;
	vm3 =	vgt.s32 v16, $0x0  }
0x57: {  	v15 =	vand.u32 $0x7FFFFFFF, v15;
	vm1 =	vmor vm1, vm2;
	v16 =	vnsel vm3, $0x0, v16  }
0x58: {  	v17 =	vadd.s32 s18, v2;
	v15 =	vnsel vm1, $0xFF800000, v15  }
0x59: {  	[tilespmem:s14+$0xFFFFFFE0] =	vst v15  }
0x5a: {  	s17 =	sor.u32 $0x30, s24;
	[tilespmem:s15+$0xFFFFFFE0] =	vst v4  }
0x5b: {  	v18 =	vld [tilespmem:s17+$0x0]  }
0x5c: {  	v16 =	vld.idx.msk [tilespmem:v16+s2+$0x0], $0xffff  }
0x5d: {  	v17 =	vld.idx.msk [tilespmem:v17+s2+$0x0], $0xffff;
	_ =	sdelay $0x3  }
0x5e: {  	v19 =	vmov s18;
	v16 =	vsub.f32 v18, v16  }
0x5f: {  	vm1 =	vlt.u32 v19, v3;
	vm2 =	vgt.f32 v17, v18  }
0x60: {  	vm1 =	vmand vm1, vm2;
	vm2 =	vle.f32 v16, $0.0e+00  }
0x61: {  	vm3 =	vle.f32 v18, $0.0e+00;
	vm8 =	vmor vm2, vm1  }
0x62: {  	vm9 =	vmneg vm3;
	vm1 =	vmand vm2, vm1;
	vm2 =	vmneg vm8  }
0x63: {  	vm1 =	vmand vm3, vm1;
	vm2 =	vmand vm9, vm2  }
0x64: {  	v16 =	vand.u32 $0x7FFFFFFF, v18;
	vm1 =	vmor vm1, vm2  }
0x65: {  	v16 =	vnsel vm1, $0xFF800000, v16  }
0x66: {  	v15 =	vmax.f32 v15, v16  }
0x67: {  	v17 =	vperm.xlane v15, v5;
	_ =	sdelay $0x1  }
0x68: {  	v15 =	vmax.f32 v15, v17  }
0x69: {  	s25 =	simm.s32 $0x1;
	v17 =	vperm.xlane v15, v6  }
0x6a: {  	v18 =	vmov s25  }
0x6b: {  	v15 =	vmax.f32 v15, v17;
	v17 =	vand.u32 $0xFFFFFFFD, v18  }
0x6c: {  	s26 =	simm.s32 $0x40;
	v18 =	vperm.xlane v15, v7;
	v17 =	vbroadcast v17, $0x0  }
0x6d: {  	v19 =	vadd.s32 s26, v1  }
0x6e: {  	vm1 =	vgt.s32 v19, $0x0;
	v15 =	vmax.f32 v15, v18  }
0x6f: {  	v19 =	vnsel vm1, $0x0, v19;
	v18 =	vperm.xlane v15, v8  }
0x70: {  	v63 =	vor.u32 s26, v2;
	[tilespmem:s17+$0x1080] =	vst v4  }
0x71: {  	[tilespmem:s17+$0x800] =	vst v16;
	v15 =	vmax.f32 v15, v18  }
0x72: {  	[tilespmem:v17+s9+$0x0] =	vst.idx.msk $0x1, v15  }
0x73: {  	v15 =	vld [tilespmem:s16+$0x0]  }
0x74: {  	v16 =	vld.idx.msk [tilespmem:v19+s2+$0x0], $0xffff  }
0x75: {  	v17 =	vld.idx.msk [tilespmem:v63+s2+$0x0], $0xffff;
	_ =	sdelay $0x3  }
0x76: {  	v18 =	vmov s26;
	v16 =	vsub.f32 v15, v16  }
0x77: {  	vm1 =	vlt.u32 v18, v3;
	vm2 =	vgt.f32 v17, v15  }
0x78: {  	vm1 =	vmand vm1, vm2;
	vm2 =	vle.f32 v16, $0.0e+00  }
0x79: {  	s28 =	simm.s32 $0x50;
	vm3 =	vle.f32 v15, $0.0e+00;
	vm10 =	vmand vm2, vm1;
	vm1 =	vmor vm2, vm1  }
0x7a: {  	v16 =	vadd.s32 s28, v1;
	vm2 =	vmneg vm3;
	vm1 =	vmneg vm1  }
0x7b: {  	vm3 =	vmand vm3, vm10;
	vm1 =	vmand vm2, vm1;
	vm2 =	vgt.s32 v16, $0x0  }
0x7c: {  	v15 =	vand.u32 $0x7FFFFFFF, v15;
	vm1 =	vmor vm3, vm1;
	v16 =	vnsel vm2, $0x0, v16  }
0x7d: {  	v17 =	vadd.s32 s28, v2;
	v15 =	vnsel vm1, $0xFF800000, v15  }
0x7e: {  	[tilespmem:s14+$0x0] =	vst v15  }
0x7f: {  	s18 =	sor.u32 $0x50, s26;
	[tilespmem:s15+$0x0] =	vst v4  }
0x80: {  	v18 =	vld [tilespmem:s18+$0x0]  }
0x81: {  	v16 =	vld.idx.msk [tilespmem:v16+s2+$0x0], $0xffff  }
0x82: {  	v17 =	vld.idx.msk [tilespmem:v17+s2+$0x0], $0xffff;
	_ =	sdelay $0x3  }
0x83: {  	v19 =	vmov s28;
	v16 =	vsub.f32 v18, v16  }
0x84: {  	vm1 =	vlt.u32 v19, v3;
	vm2 =	vgt.f32 v17, v18  }
0x85: {  	vm1 =	vmand vm1, vm2;
	vm2 =	vle.f32 v16, $0.0e+00  }
0x86: {  	vm3 =	vle.f32 v18, $0.0e+00;
	vm11 =	vmor vm2, vm1  }
0x87: {  	vm12 =	vmneg vm3;
	vm1 =	vmand vm2, vm1;
	vm2 =	vmneg vm11  }
0x88: {  	vm1 =	vmand vm3, vm1;
	vm2 =	vmand vm12, vm2  }
0x89: {  	v16 =	vand.u32 $0x7FFFFFFF, v18;
	vm1 =	vmor vm1, vm2  }
0x8a: {  	v16 =	vnsel vm1, $0xFF800000, v16  }
0x8b: {  	v15 =	vmax.f32 v15, v16  }
0x8c: {  	v17 =	vperm.xlane v15, v5;
	_ =	sdelay $0x1  }
0x8d: {  	v15 =	vmax.f32 v15, v17  }
0x8e: {  	s29 =	simm.s32 $0x2;
	v17 =	vperm.xlane v15, v6  }
0x8f: {  	v18 =	vmov s29  }
0x90: {  	s30 =	simm.s32 $0x60;
	v15 =	vmax.f32 v15, v17;
	v17 =	vand.u32 $0xFFFFFFFE, v18  }
0x91: {  	v19 =	vadd.s32 s30, v1;
	v18 =	vperm.xlane v15, v7;
	v17 =	vbroadcast v17, $0x0  }
0x92: {  	vm1 =	vgt.s32 v19, $0x0  }
0x93: {  	v15 =	vmax.f32 v15, v18;
	v18 =	vnsel vm1, $0x0, v19  }
0x94: {  	v19 =	vperm.xlane v15, v8  }
0x95: {  	[tilespmem:s18+$0x800] =	vst v16;
	v16 =	vor.u32 s30, v2  }
0x96: {  	[tilespmem:s18+$0x1080] =	vst v4;
	v15 =	vmax.f32 v15, v19  }
0x97: {  	[tilespmem:v17+s9+$0x0] =	vst.idx.msk $0x1, v15  }
0x98: {  	v15 =	vld.idx.msk [tilespmem:v18+s2+$0x0], $0xffff  }
0x99: {  	v17 =	vld [tilespmem:s16+$0x20]  }
0x9a: {  	v16 =	vld.idx.msk [tilespmem:v16+s2+$0x0], $0xffff;
	_ =	sdelay $0x3  }
0x9b: {  	s31 =	simm.s32 $0x70;
	v18 =	vmov s30;
	v15 =	vsub.f32 v17, v15  }
0x9c: {  	vm1 =	vlt.u32 v18, v3;
	vm2 =	vgt.f32 v16, v17;
	v16 =	vadd.s32 s31, v2  }
0x9d: {  	vm1 =	vmand vm1, vm2;
	vm2 =	vle.f32 v17, $0.0e+00;
	vm3 =	vle.f32 v15, $0.0e+00  }
0x9e: {  	vm14 =	vlt.s32 v16, $0x7FF;
	vm13 =	vmand vm3, vm1;
	vm1 =	vmor vm3, vm1  }
0x9f: {  	v15 =	vadd.s32 s31, v1;
	vm3 =	vmneg vm2;
	vm1 =	vmneg vm1  }
0xa0: {  	vm2 =	vmand vm2, vm13;
	vm1 =	vmand vm3, vm1;
	vm3 =	vgt.s32 v15, $0x0  }
0xa1: {  	v17 =	vand.u32 $0x7FFFFFFF, v17;
	vm1 =	vmor vm2, vm1;
	v15 =	vnsel vm3, $0x0, v15  }
0xa2: {  	v16 =	vnsel vm14, $0x7FF, v16;
	v17 =	vnsel vm1, $0xFF800000, v17  }
0xa3: {  	[tilespmem:s14+$0x20] =	vst v17  }
0xa4: {  	s17 =	sor.u32 $0x70, s30;
	[tilespmem:s15+$0x20] =	vst v4  }
0xa5: {  	v18 =	vld [tilespmem:s17+$0x0]  }
0xa6: {  	v15 =	vld.idx.msk [tilespmem:v15+s2+$0x0], $0xffff  }
0xa7: {  	v16 =	vld.idx.msk [tilespmem:v16+s2+$0x0], $0xffff;
	_ =	sdelay $0x3  }
0xa8: {  	v19 =	vmov s31;
	v15 =	vsub.f32 v18, v15  }
0xa9: {  	vm2 =	vlt.u32 v19, v3;
	vm1 =	vgt.f32 v16, v18  }
0xaa: {  	vm1 =	vmand vm2, vm1;
	vm2 =	vle.f32 v15, $0.0e+00  }
0xab: {  	vm3 =	vle.f32 v18, $0.0e+00;
	vm15 =	vmor vm2, vm1  }
0xac: {  	vm1 =	vmand vm2, vm1;
	vm2 =	vmneg vm3;
	vm4 =	vmneg vm15  }
0xad: {  	vm1 =	vmand vm3, vm1;
	vm2 =	vmand vm2, vm4  }
0xae: {  	v15 =	vand.u32 $0x7FFFFFFF, v18;
	vm1 =	vmor vm1, vm2  }
0xaf: {  	v16 =	vnsel vm1, $0xFF800000, v15  }
0xb0: {  	v15 =	vmax.f32 v17, v16  }
0xb1: {  	[tilespmem:s17+$0x800] =	vst v16;
	v16 =	vperm.xlane v15, v5  }
0xb2: {  	s18 =	simm.s32 $0xC0;
	s16 =	simm.s32 $0x4;
	[tilespmem:s17+$0x1080] =	vst v4;
	s17 =	simm.s32 $0xF0  }
.LBB2_3:
0xb3: {  	s19 =	sadd.s32 $0xFFFFFFA0, s17;
	v15 =	vmax.f32 v15, v16;
	s15 =	sadd.s32 $0x80, s15;
	s14 =	sadd.s32 $0x80, s14  }
0xb4: {  	p0 =	slt.u32 s16, $0x3C;
	s20 =	smov.u32 s16;
	s16 =	sadd.s32 $0x4, s16;
	v16 =	vmov s19;
	v17 =	vadd.s32 s19, v1;
	v18 =	vperm.xlane v15, v6  }
0xb5: {  	vm1 =	vgt.s32 v17, $0x0  }
0xb6: {  	s21 =	sadd.s32 $0x3, s13;
	s13 =	smov.u32 s20;
	v17 =	vnsel vm1, $0x0, v17;
	v15 =	vmax.f32 v15, v18  }
0xb7: {  	s20 =	sadd.s32 $0xFFFFFF90, s17;
	v18 =	vmov s21;
	v19 =	vperm.xlane v15, v7  }
0xb8: {  	v20 =	vmov s20;
	v21 =	vadd.s32 s20, v1;
	v22 =	vor.u32 s20, v2  }
0xb9: {  	vm1 =	vgt.s32 v21, $0x0;
	v15 =	vmax.f32 v15, v19  }
0xba: {  	v19 =	vnsel vm1, $0x0, v21;
	v21 =	vperm.xlane v15, v8;
	_ =	sdelay $0x1  }
0xbb: {  	v15 =	vmax.f32 v15, v21  }
0xbc: {  	[tilespmem:v18+s9+$0x0] =	vst.idx.msk $0x1, v15;
	_ =	sdelay $0x1  }
0xbd: {  	v15 =	vld.idx.msk [tilespmem:v19+s2+$0x0], $0xffff  }
0xbe: {  	v18 =	vld [tilespmem:s18+$0xFFFFFFC0]  }
0xbf: {  	v19 =	vld.idx.msk [tilespmem:v22+s2+$0x0], $0xffff;
	_ =	sdelay $0x3  }
0xc0: {  	v15 =	vsub.f32 v18, v15  }
0xc1: {  	vm1 =	veq.s32 v20, v0  }
0xc2: {  	vm2 =	vlt.u32 v20, v3;
	vm3 =	vgt.f32 v19, v18;
	vm4 =	vle.f32 v15, $0.0e+00  }
0xc3: {  	vm2 =	vmand vm2, vm3;
	vm1 =	vmor vm1, vm4  }
0xc4: {  	vm3 =	vle.f32 v18, $0.0e+00;
	vm4 =	vmand vm2, vm1;
	vm1 =	vmor vm2, vm1  }
0xc5: {  	vm2 =	vmneg vm3;
	vm1 =	vmneg vm1  }
0xc6: {  	vm3 =	vmand vm3, vm4;
	vm1 =	vmand vm2, vm1  }
0xc7: {  	v15 =	vand.u32 $0x7FFFFFFF, v18;
	vm1 =	vmor vm3, vm1  }
0xc8: {  	v18 =	vadd.s32 s19, v2;
	v15 =	vnsel vm1, $0xFF800000, v15  }
0xc9: {  	[tilespmem:s14+$0xFFFFFFC0] =	vst v15  }
0xca: {  	[tilespmem:s15+$0xFFFFFFC0] =	vst v4  }
0xcb: {  	v19 =	vld [tilespmem:s18+$0xFFFFFFD0]  }
0xcc: {  	v17 =	vld.idx.msk [tilespmem:v17+s2+$0x0], $0xffff  }
0xcd: {  	v18 =	vld.idx.msk [tilespmem:v18+s2+$0x0], $0xffff;
	_ =	sdelay $0x4  }
0xce: {  	v17 =	vsub.f32 v19, v17  }
0xcf: {  	vm1 =	vlt.u32 v16, v3;
	vm2 =	vgt.f32 v18, v19  }
0xd0: {  	vm1 =	vmand vm1, vm2;
	vm2 =	vle.f32 v17, $0.0e+00  }
0xd1: {  	vm3 =	vle.f32 v19, $0.0e+00;
	vm4 =	vmand vm2, vm1;
	vm1 =	vmor vm2, vm1  }
0xd2: {  	vm2 =	vmneg vm3;
	vm1 =	vmneg vm1  }
0xd3: {  	vm3 =	vmand vm3, vm4;
	vm1 =	vmand vm2, vm1  }
0xd4: {  	v16 =	vand.u32 $0x7FFFFFFF, v19;
	vm1 =	vmor vm3, vm1  }
0xd5: {  	v16 =	vnsel vm1, $0xFF800000, v16  }
0xd6: {  	v15 =	vmax.f32 v15, v16  }
0xd7: {  	v17 =	vperm.xlane v15, v5;
	_ =	sdelay $0x1  }
0xd8: {  	v15 =	vmax.f32 v15, v17  }
0xd9: {  	v17 =	vperm.xlane v15, v6  }
0xda: {  	v18 =	vmov s13  }
0xdb: {  	v15 =	vmax.f32 v15, v17;
	v17 =	vand.u32 $0xFFFFFFFC, v18  }
0xdc: {  	v18 =	vperm.xlane v15, v7;
	v17 =	vbroadcast v17, $0x0  }
0xdd: {  	s19 =	sadd.s32 $0xFFFFFFB0, s17  }
0xde: {  	v19 =	vadd.s32 s19, v1;
	v15 =	vmax.f32 v15, v18;
	v18 =	vmov s19  }
0xdf: {  	v21 =	vor.u32 s19, v2;
	vm1 =	vgt.s32 v19, $0x0;
	v20 =	vperm.xlane v15, v8  }
0xe0: {  	[tilespmem:s14+$0xFFFFFFD0] =	vst v16;
	v16 =	vnsel vm1, $0x0, v19  }
0xe1: {  	v15 =	vmax.f32 v15, v20;
	[tilespmem:s15+$0xFFFFFFD0] =	vst v4  }
0xe2: {  	[tilespmem:v17+s9+$0x0] =	vst.idx.msk $0x1, v15  }
0xe3: {  	v15 =	vld [tilespmem:s18+$0xFFFFFFE0]  }
0xe4: {  	v17 =	vld.idx.msk [tilespmem:v21+s2+$0x0], $0xffff  }
0xe5: {  	v16 =	vld.idx.msk [tilespmem:v16+s2+$0x0], $0xffff;
	_ =	sdelay $0x4  }
0xe6: {  	vm1 =	vlt.u32 v18, v3;
	vm2 =	vgt.f32 v17, v15  }
0xe7: {  	vm1 =	vmand vm1, vm2;
	v16 =	vsub.f32 v15, v16  }
0xe8: {  	vm2 =	vle.f32 v15, $0.0e+00  }
0xe9: {  	vm4 =	vmneg vm2;
	vm3 =	vle.f32 v16, $0.0e+00  }
0xea: {  	vm5 =	vmand vm3, vm1;
	vm1 =	vmor vm3, vm1  }
0xeb: {  	s20 =	sadd.s32 $0xFFFFFFC0, s17;
	vm1 =	vmneg vm1;
	vm2 =	vmand vm2, vm5  }
0xec: {  	v17 =	vadd.s32 s20, v2;
	v16 =	vadd.s32 s20, v1;
	vm1 =	vmand vm4, vm1  }
0xed: {  	v15 =	vand.u32 $0x7FFFFFFF, v15;
	vm1 =	vmor vm2, vm1;
	vm2 =	vgt.s32 v16, $0x0  }
0xee: {  	v15 =	vnsel vm1, $0xFF800000, v15;
	v16 =	vnsel vm2, $0x0, v16  }
0xef: {  	[tilespmem:s14+$0xFFFFFFE0] =	vst v15  }
0xf0: {  	s19 =	sor.u32 $0x30, s19;
	[tilespmem:s15+$0xFFFFFFE0] =	vst v4  }
0xf1: {  	v18 =	vld [tilespmem:s19+$0x0]  }
0xf2: {  	v17 =	vld.idx.msk [tilespmem:v17+s2+$0x0], $0xffff  }
0xf3: {  	v16 =	vld.idx.msk [tilespmem:v16+s2+$0x0], $0xffff;
	_ =	sdelay $0x3  }
0xf4: {  	v19 =	vmov s20  }
0xf5: {  	vm1 =	vlt.u32 v19, v3;
	vm2 =	vgt.f32 v17, v18  }
0xf6: {  	vm1 =	vmand vm1, vm2;
	v16 =	vsub.f32 v18, v16;
	_ =	sdelay $0x1  }
0xf7: {  	vm2 =	vle.f32 v16, $0.0e+00  }
0xf8: {  	vm3 =	vle.f32 v18, $0.0e+00;
	vm4 =	vmand vm2, vm1;
	vm1 =	vmor vm2, vm1  }
0xf9: {  	vm2 =	vmneg vm3;
	vm1 =	vmneg vm1  }
0xfa: {  	vm3 =	vmand vm3, vm4;
	vm1 =	vmand vm2, vm1  }
0xfb: {  	v16 =	vand.u32 $0x7FFFFFFF, v18;
	vm1 =	vmor vm3, vm1  }
0xfc: {  	v16 =	vnsel vm1, $0xFF800000, v16  }
0xfd: {  	v15 =	vmax.f32 v15, v16  }
0xfe: {  	v17 =	vperm.xlane v15, v5;
	_ =	sdelay $0x1  }
0xff: {  	v15 =	vmax.f32 v15, v17  }
0x100: {  	s20 =	sadd.s32 $0x1, s13;
	v17 =	vperm.xlane v15, v6  }
0x101: {  	v18 =	vmov s20  }
0x102: {  	v15 =	vmax.f32 v15, v17;
	v17 =	vand.u32 $0xFFFFFFFD, v18  }
0x103: {  	s20 =	sadd.s32 $0xFFFFFFD0, s17;
	v18 =	vperm.xlane v15, v7;
	v17 =	vbroadcast v17, $0x0  }
0x104: {  	v19 =	vmov s20;
	v20 =	vadd.s32 s20, v1  }
0x105: {  	vm1 =	vgt.s32 v20, $0x0;
	v15 =	vmax.f32 v15, v18  }
0x106: {  	v20 =	vnsel vm1, $0x0, v20;
	v18 =	vperm.xlane v15, v8  }
0x107: {  	v21 =	vor.u32 s20, v2;
	[tilespmem:s19+$0x1080] =	vst v4  }
0x108: {  	v15 =	vmax.f32 v15, v18;
	[tilespmem:s19+$0x800] =	vst v16  }
0x109: {  	[tilespmem:v17+s9+$0x0] =	vst.idx.msk $0x1, v15  }
0x10a: {  	v15 =	vld [tilespmem:s18+$0x0]  }
0x10b: {  	v16 =	vld.idx.msk [tilespmem:v20+s2+$0x0], $0xffff  }
0x10c: {  	v17 =	vld.idx.msk [tilespmem:v21+s2+$0x0], $0xffff;
	_ =	sdelay $0x4  }
0x10d: {  	v16 =	vsub.f32 v15, v16  }
0x10e: {  	vm1 =	vlt.u32 v19, v3;
	vm2 =	vgt.f32 v17, v15  }
0x10f: {  	vm1 =	vmand vm1, vm2;
	vm2 =	vle.f32 v16, $0.0e+00  }
0x110: {  	s19 =	sadd.s32 $0xFFFFFFE0, s17;
	vm3 =	vle.f32 v15, $0.0e+00;
	vm4 =	vmand vm2, vm1;
	vm1 =	vmor vm2, vm1  }
0x111: {  	v16 =	vadd.s32 s19, v1;
	vm2 =	vmneg vm3;
	vm1 =	vmneg vm1  }
0x112: {  	vm3 =	vmand vm3, vm4;
	vm1 =	vmand vm2, vm1;
	vm2 =	vgt.s32 v16, $0x0  }
0x113: {  	v15 =	vand.u32 $0x7FFFFFFF, v15;
	vm1 =	vmor vm3, vm1;
	v16 =	vnsel vm2, $0x0, v16  }
0x114: {  	v17 =	vadd.s32 s19, v2;
	v15 =	vnsel vm1, $0xFF800000, v15  }
0x115: {  	[tilespmem:s14+$0x0] =	vst v15  }
0x116: {  	s20 =	sor.u32 $0x50, s20;
	[tilespmem:s15+$0x0] =	vst v4  }
0x117: {  	v18 =	vld [tilespmem:s20+$0x0]  }
0x118: {  	v16 =	vld.idx.msk [tilespmem:v16+s2+$0x0], $0xffff  }
0x119: {  	v17 =	vld.idx.msk [tilespmem:v17+s2+$0x0], $0xffff  }
0x11a: {  	[tilespmem:s20+$0x1080] =	vst v4;
	_ =	sdelay $0x3  }
0x11b: {  	v19 =	vmov s19;
	v16 =	vsub.f32 v18, v16  }
0x11c: {  	vm1 =	vlt.u32 v19, v3;
	vm2 =	vgt.f32 v17, v18  }
0x11d: {  	vm1 =	vmand vm1, vm2;
	vm2 =	vle.f32 v16, $0.0e+00  }
0x11e: {  	vm3 =	vle.f32 v18, $0.0e+00;
	vm4 =	vmand vm2, vm1;
	vm1 =	vmor vm2, vm1  }
0x11f: {  	vm2 =	vmneg vm3;
	vm1 =	vmneg vm1  }
0x120: {  	vm3 =	vmand vm3, vm4;
	vm1 =	vmand vm2, vm1  }
0x121: {  	v16 =	vand.u32 $0x7FFFFFFF, v18;
	vm1 =	vmor vm3, vm1  }
0x122: {  	v16 =	vnsel vm1, $0xFF800000, v16  }
0x123: {  	v15 =	vmax.f32 v15, v16;
	[tilespmem:s20+$0x800] =	vst v16  }
0x124: {  	v16 =	vperm.xlane v15, v5;
	_ =	sdelay $0x1  }
0x125: {  	v15 =	vmax.f32 v15, v16  }
0x126: {  	s19 =	sadd.s32 $0x2, s13;
	v16 =	vperm.xlane v15, v6  }
0x127: {  	v17 =	vmov s19  }
0x128: {  	s19 =	sadd.s32 $0xFFFFFFF0, s17;
	v15 =	vmax.f32 v15, v16;
	v16 =	vand.u32 $0xFFFFFFFE, v17  }
0x129: {  	v18 =	vadd.s32 s19, v1;
	v17 =	vperm.xlane v15, v7;
	v16 =	vbroadcast v16, $0x0  }
0x12a: {  	v19 =	vmov s19;
	vm1 =	vgt.s32 v18, $0x0  }
0x12b: {  	v15 =	vmax.f32 v15, v17;
	v17 =	vnsel vm1, $0x0, v18  }
0x12c: {  	v20 =	vor.u32 s19, v2;
	v18 =	vperm.xlane v15, v8;
	_ =	sdelay $0x1  }
0x12d: {  	v15 =	vmax.f32 v15, v18  }
0x12e: {  	[tilespmem:v16+s9+$0x0] =	vst.idx.msk $0x1, v15  }
0x12f: {  	v15 =	vld.idx.msk [tilespmem:v17+s2+$0x0], $0xffff  }
0x130: {  	v16 =	vld [tilespmem:s18+$0x20]  }
0x131: {  	v17 =	vld.idx.msk [tilespmem:v20+s2+$0x0], $0xffff;
	_ =	sdelay $0x3  }
0x132: {  	v15 =	vsub.f32 v16, v15  }
0x133: {  	vm1 =	vlt.u32 v19, v3  }
0x134: {  	vm2 =	vgt.f32 v17, v16;
	vm3 =	vle.f32 v15, $0.0e+00;
	v15 =	vadd.s32 s17, v1  }
0x135: {  	v17 =	vadd.s32 s17, v2;
	vm1 =	vmand vm1, vm2;
	vm2 =	vle.f32 v16, $0.0e+00  }
0x136: {  	vm4 =	vmand vm3, vm1;
	vm1 =	vmor vm3, vm1;
	vm3 =	vmneg vm2  }
0x137: {  	vm1 =	vmneg vm1;
	vm2 =	vmand vm2, vm4;
	vm4 =	vlt.s32 v17, $0x7FF  }
0x138: {  	v16 =	vand.u32 $0x7FFFFFFF, v16;
	vm1 =	vmand vm3, vm1;
	vm3 =	vgt.s32 v15, $0x0  }
0x139: {  	v17 =	vnsel vm4, $0x7FF, v17;
	vm1 =	vmor vm2, vm1;
	v15 =	vnsel vm3, $0x0, v15  }
0x13a: {  	v16 =	vnsel vm1, $0xFF800000, v16  }
0x13b: {  	[tilespmem:s14+$0x20] =	vst v16  }
0x13c: {  	s19 =	sor.u32 $0x70, s19;
	[tilespmem:s15+$0x20] =	vst v4  }
0x13d: {  	v18 =	vld [tilespmem:s19+$0x0]  }
0x13e: {  	v17 =	vld.idx.msk [tilespmem:v17+s2+$0x0], $0xffff  }
0x13f: {  	v15 =	vld.idx.msk [tilespmem:v15+s2+$0x0], $0xffff  }
0x140: {  	[tilespmem:s19+$0x1080] =	vst v4;
	_ =	sdelay $0x3  }
0x141: {  	v19 =	vmov s17;
	vm1 =	vgt.f32 v17, v18  }
0x142: {  	vm2 =	vlt.u32 v19, v3;
	v15 =	vsub.f32 v18, v15  }
0x143: {  	vm1 =	vmand vm2, vm1  }
0x144: {  	vm3 =	vle.f32 v18, $0.0e+00;
	vm2 =	vle.f32 v15, $0.0e+00  }
0x145: {  	vm4 =	vmand vm2, vm1;
	vm1 =	vmor vm2, vm1;
	vm2 =	vmneg vm3  }
0x146: {  	vm1 =	vmneg vm1;
	vm3 =	vmand vm3, vm4  }
0x147: {  	v15 =	vand.u32 $0x7FFFFFFF, v18;
	vm1 =	vmand vm2, vm1  }
.Ltmp3:
0x148: {  	vm1 =	vmor vm3, vm1;
	(pc) =	sbr.rel @p0 .LBB2_3-.Ltmp3, $4  }
0x149: {  	v15 =	vnsel vm1, $0xFF800000, v15  }
0x14a: {  	[tilespmem:s19+$0x800] =	vst v15;
	v15 =	vmax.f32 v16, v15  }
0x14b: {  	v16 =	vperm.xlane v15, v5  }
0x14c: {  	s18 =	sadd.s32 $0x80, s18;
	s17 =	sadd.s32 $0x80, s17  }
0x14d: {  	v15 =	vmax.f32 v15, v16  }
0x14e: {  	v16 =	vperm.xlane v15, v6;
	_ =	sdelay $0x1  }
0x14f: {  	v15 =	vmax.f32 v15, v16  }
0x150: {  	s13 =	sadd.s32 $0x3, s13;
	v16 =	vperm.xlane v15, v7  }
0x151: {  	v17 =	vmov s13  }
0x152: {  	v15 =	vmax.f32 v15, v16  }
0x153: {  	v16 =	vperm.xlane v15, v8;
	_ =	sdelay $0x1  }
0x154: {  	v15 =	vmax.f32 v15, v16  }
0x155: {  	[tilespmem:v17+s9+$0x0] =	vst.idx.msk $0x1, v15  }
0x156: {  	v15 =	vld [tilespmem:$0x1000]  }
0x157: {  	v18 =	vld [tilespmem:$0x1010]  }
0x158: {  	v17 =	vld [tilespmem:$0x1020]  }
0x159: {  	v16 =	vld [tilespmem:$0x1030];
	_ =	sdelay $0x4  }
0x15a: {  	v19 =	vmax.f32 v15, v18;
	v20 =	vmax.f32 v17, v16  }
0x15b: {  	v19 =	vmax.f32 v19, v20  }
0x15c: {  	(xrf0) =	vmax.scan.msk.f32 $0xffff, v19;
	_ =	sdelay $0x5  }
0x15d: {  	v19, _, _ =	vpop (xrf0)  }
0x15e: {  	(v2sf) =	vpush v19, $0xF;
	_ =	sdelay $0xe  }
0x15f: {  	s31 =	spop (v2sf)  }
0x160: {  	p0 =	slt.f32 s31, $-Inf;
	p1 =	sgt.f32 s31, $-Inf  }
0x161: {  	_ = 	snop  }
0x162: {  	p0 =	por p1, p0  }
0x163: {  	p0 =	por !p0, !p0  }
.Ltmp4:
0x164: {  	_ = 	snop;
	(pc) =	sbr.rel @p0 .LBB2_7-.Ltmp4, $1  }
0x165: {  	_ =	sdelay $0x3  }
0x166: {  	v19 =	vbroadcast v19, $0xF  }
0x167: {  	s13 =	simm.s32 $0x0  }
.LBB2_6:
0x168: {  	vm1 =	veq.f32 v15, v19;
	vm3 =	veq.f32 v17, v19  }
0x169: {  	vm2 =	veq.f32 v18, v19;
	v20 =	vmctz.xlane vm1;
	v22 =	vmctz.xlane vm3  }
0x16a: {  	v21 =	vmctz.xlane vm2;
	vm2 =	veq.f32 v16, v19  }
0x16b: {  	v23 =	vmctz.xlane vm2;
	vm1 =	vgt.s32 v20, $0xF;
	vm2 =	vgt.s32 v22, $0xF  }
0x16c: {  	v22 =	vadd.s32 $0x20, v22;
	v20 =	vsel vm1, $0x10000, v20;
	vm1 =	vgt.s32 v21, $0xF  }
0x16d: {  	v21 =	vadd.s32 $0x10, v21;
	vm3 =	vgt.s32 v23, $0xF;
	v23 =	vadd.s32 $0x30, v23  }
0x16e: {  	v22 =	vsel vm2, $0x10000, v22;
	v21 =	vsel vm1, $0x10000, v21;
	v23 =	vsel vm3, $0x10000, v23  }
0x16f: {  	vm1 =	vlt.s32 v20, v21;
	vm2 =	vlt.s32 v22, v23  }
0x170: {  	v20 =	vsel vm1, v20, v21;
	v43 =	vsel vm2, v22, v23  }
0x171: {  	vm1 =	vlt.s32 v20, v43  }
0x172: {  	v20 =	vsel vm1, v20, v43  }
0x173: {  	v21 =	vshll.u32 v20, $0x5  }
0x174: {  	v44 =	vor.u32 v0, v21  }
0x175: {  	v45 =	vor.u32 v9, v21;
	_ =	sdelay $0x3  }
0x176: {  	v24 =	vld.idx.msk [tilespmem:v44+s11+$0x0], $0xffff  }
0x177: {  	v25 =	vld.idx.msk [tilespmem:v45+s11+$0x0], $0xffff;
	_ =	sdelay $0x4  }
0x178: {  	vm1 =	veq.f32 v24, v19;
	vm2 =	veq.f32 v25, v19  }
0x179: {  	v19 =	vmctz.xlane vm1;
	v26 =	vmctz.xlane vm2;
	_ =	sdelay $0x1  }
0x17a: {  	vm1 =	vlt.s32 v19, $0x10;
	v26 =	vadd.s32 $0x10, v26  }
0x17b: {  	v19 =	vsel vm1, v19, v26  }
0x17c: {  	v19 =	vadd.s32 v21, v19  }
0x17d: {  	v21 =	vadd.s32 $0xA, v19;
	v46 =	vadd.s32 $0xFFFFFFF6, v19  }
0x17e: {  	vm1 =	vlt.s32 v21, $0x7FF;
	vm2 =	vgt.s32 v46, $0x0  }
0x17f: {  	v27 =	vnsel vm1, $0x7FF, v21;
	v28 =	vnsel vm2, $0x0, v46;
	vm1 =	vlt.s32 v46, $0x1  }
0x180: {  	v29 =	vshra.s32 v27, $0x1F;
	v47 =	vand.u32 $0x1F, v28;
	v30 =	vshrl.u32 v28, $0x5  }
0x181: {  	v49 =	vand.u32 $0x1F, v27;
	v29 =	vshrl.u32 v29, $0x1B;
	vm2 =	vne.s32 v47, $0x0  }
0x182: {  	vm3 =	vne.s32 v49, $0x0;
	v50 =	vsub.s32 v30, v20;
	v48 =	vadd.s32 v29, v27  }
0x183: {  	vm1 =	vmand vm1, vm2;
	vm2 =	vlt.s32 v21, $0x1;
	v26 =	vshra.s32 v48, $0x5  }
0x184: {  	v51 =	vsel vm1, $0xFFFFFFFF, v10;
	vm1 =	vmand vm2, vm3;
	v21 =	vadd.s32 v26, v50  }
0x185: {  	v52 =	vsel vm1, $0xFFFFFFFF, v10;
	v21 =	vadd.s32 v51, v21  }
0x186: {  	v21 =	vadd.s32 v52, v21  }
0x187: {  	v53 =	vld.idx.msk [tilespmem:v19+s2+$0x0], $0xffff;
	v54 =	vshll.u32 v21, $0x5  }
0x188: {  	v55 =	vor.u32 v9, v54  }
0x189: {  	v29 =	vor.u32 v0, v54;
	_ =	sdelay $0x2  }
0x18a: {  	[tilespmem:v19+s10+$0x0] =	vst.idx.msk $0x1, v53  }
0x18b: {  	v26 =	vld.idx.msk [tilespmem:v55+s11+$0x0], $0xffff  }
0x18c: {  	vm2 =	vle.s32 v45, v27;
	vm1 =	vge.s32 v45, v28;
	v56 =	vld.idx.msk [tilespmem:v29+s11+$0x0], $0xffff  }
0x18d: {  	vm3 =	vle.s32 v44, v27;
	vm1 =	vmand vm1, vm2;
	vm2 =	vge.s32 v44, v28  }
0x18e: {  	v57 =	vsel vm1, $0xFF800000, v25;
	vm1 =	vge.s32 v55, v28;
	vm4 =	vle.s32 v55, v27  }
0x18f: {  	vm2 =	vmand vm2, vm3;
	v24 =	vmax.f32 v24, v57;
	vm1 =	vmand vm1, vm4  }
0x190: {  	vm3 =	vge.s32 v29, v28;
	v58 =	vsel vm1, $0xFF800000, v26;
	vm1 =	vle.s32 v29, v27  }
0x191: {  	v22 =	vsel vm2, v57, v24;
	vm1 =	vmand vm3, vm1;
	v23 =	vmax.f32 v56, v58  }
0x192: {  	v24 =	vperm.xlane v22, v5;
	v23 =	vsel vm1, v58, v23  }
0x193: {  	v25 =	vperm.xlane v23, v5  }
0x194: {  	v22 =	vmax.f32 v22, v24  }
0x195: {  	v24 =	vperm.xlane v22, v6;
	v23 =	vmax.f32 v23, v25  }
0x196: {  	v25 =	vperm.xlane v23, v6  }
0x197: {  	v22 =	vmax.f32 v22, v24  }
0x198: {  	v24 =	vperm.xlane v22, v7;
	v23 =	vmax.f32 v23, v25  }
0x199: {  	v25 =	vperm.xlane v23, v7  }
0x19a: {  	v22 =	vmax.f32 v22, v24  }
0x19b: {  	v24 =	vperm.xlane v22, v8;
	v23 =	vmax.f32 v23, v25  }
0x19c: {  	v25 =	vperm.xlane v23, v8  }
0x19d: {  	v22 =	vmax.f32 v22, v24;
	vm1 =	veq.s32 v20, v0  }
0x19e: {  	v15 =	vsel vm1, v22, v15;
	vm1 =	veq.s32 v21, v0;
	v23 =	vmax.f32 v23, v25  }
0x19f: {  	v15 =	vsel vm1, v23, v15;
	vm1 =	veq.s32 v20, v9  }
0x1a0: {  	v59 =	vor.u32 $0x30, v0;
	v18 =	vsel vm1, v22, v18;
	vm1 =	veq.s32 v20, v14  }
0x1a1: {  	vm2 =	veq.s32 v21, v9;
	v17 =	vsel vm1, v22, v17;
	vm1 =	veq.s32 v20, v59  }
0x1a2: {  	vm3 =	veq.s32 v21, v14;
	v16 =	vsel vm1, v22, v16;
	vm1 =	veq.s32 v21, v59  }
0x1a3: {  	v18 =	vsel vm2, v23, v18;
	v17 =	vsel vm3, v23, v17;
	v16 =	vsel vm1, v23, v16  }
0x1a4: {  	v20 =	vmax.f32 v15, v18;
	v60 =	vmax.f32 v17, v16  }
0x1a5: {  	v20 =	vmax.f32 v20, v60  }
0x1a6: {  	(xrf0) =	vmax.scan.msk.f32 $0xffff, v20;
	_ =	sdelay $0x5  }
0x1a7: {  	v20, _, _ =	vpop (xrf0)  }
0x1a8: {  	(v2sf) =	vpush v20, $0xF;
	_ =	sdelay $0xd  }
0x1a9: {  	v61 =	vadd.s32 v12, v19;
	v19 =	vadd.s32 v13, v19  }
0x1aa: {  	p0 =	sgt.u32 s13, $0xB9;
	vm2 =	vgt.s32 v19, $0x0;
	vm1 =	vgt.s32 v61, $0x0;
	s14 =	spop (v2sf)  }
0x1ab: {  	vm3 =	vlt.s32 v19, $0x800;
	v62 =	vnsel vm1, $0x0, v61;
	vm1 =	vlt.u32 v61, $0x800;
	p1 =	sgt.f32 @!p0 s14, $-Inf  }
0x1ac: {  	v19 =	vnsel vm2, $0x0, v19;
	vm2 =	vmand vm3, vm0;
	v63 =	vmin.u32 v62, $0x7FF  }
0x1ad: {  	v19 =	vmin.u32 v19, $0x7FF;
	p0 =	por p0, !p1  }
.Ltmp5:
0x1ae: {  	_ = 	snop;
	(pc) =	sbr.rel @!p0 .LBB2_6-.Ltmp5, $3  }
0x1af: {  	_ =	sdelay $0x1  }
0x1b0: {  	[tilespmem:v63+s11+$0x0] =	vst.idx.msk vm1, v11  }
0x1b1: {  	s13 =	sadd.s32 $0x1, s13;
	[tilespmem:v19+s11+$0x0] =	vst.idx.msk vm2, v11;
	v19 =	vbroadcast v20, $0xF  }
.Ltmp6:
0x1b2: {  	_ = 	snop;
	(pc) =	sbr.rel .LBB2_7-.Ltmp6, $1  }
0x1b3: {  	_ =	sdelay $0x3  }
.LBB2_8:
0x1b4: {  	_ =	sfence.sel $0x180000  }
0x1b5: {  	[bflag:$0x0] =	sbarrier.arrive $0xFFFF  }
0x1b6: {  	p0 =	sne.s32 s1, $0x0;
	_ =	strace $0x90000047  }
0x1b7: {  	s0 =	sadd.s32 @!p0 $0x100000, s0;
	[bflag:$0x2] =	sbarrier.arrive $0xFFFF  }
0x1b8: {  	[sflag:s0] =	ssyncadd.tile.s32 @!p0 $0x1;
	_ =	shalt  }
.Lfunc_end2:
_tile_overlayer_lowered:
.L_overlay_start_2:
0x1b9: {  	(tag) =	ssettag $0x2  }
0x1ba: {  	s0 =	rddreg [dreg:$0x0];
	s2 =	stileid.u32  }
0x1bb: {  	s1 =	rddreg [dreg:$0x1];
	p0 =	sne.s32 s2, $0x0  }
0x1bc: {  	s3 =	rddreg [dreg:$0x2];
	[bflag:$0x3] =	sbarrier.arrive $0xFFFF;
	s2 =	simm.s32 @!p0 $0x1C01  }
0x1bd: {  	[timem:s3], [sflag:s2] =	dma.local @!p0 [hbm:s0], s1  }
0x1be: {  	s0 =	simm.s32 @!p0 $0x1  }
0x1bf: {  	_ =	swait.ge @!p0 [sflag:s0], s1  }
0x1c0: {  	s1 =	ssub.s32 @!p0 $0x0, s1;
	[sflag:s0] =	ssyncset.done @!p0 $0x0  }
0x1c1: {  	[sflag:s0] =	ssyncadd.s32 @!p0 s1  }
0x1c2: {  	[bflag:$0x3] =	sbarrier.arrive $0xFFFF  }
0x1c3: {  	_ =	shalt  }

</sc_bundles>
